<compile_context>
chip_gen: v7x
topology: tpu7x:2x2x1
jax: 0.10.2.dev20260603
libtpu: 0.0.44.dev20260713+nightly
codegen_flags: <defaults>
</compile_context>

<pallas_src>
import jax
import jax.numpy as jnp
from jax import lax
from jax.experimental import pallas as pl
from jax.experimental.pallas import tpu as pltpu
from jax.experimental.pallas import tpu_sc as plsc

_BATCH = 16384
_DIM = 128
_LANES = 16
_NUM_WORKERS = 32
_CHUNK = _BATCH // _NUM_WORKERS


def _sc_body(x_hbm, y_hbm, tab_hbm, out_hbm, xv, yv, tabv, outv):
    nc = 2
    wid = lax.axis_index("s") * nc + lax.axis_index("c")
    base = wid * _CHUNK
    pltpu.sync_copy(tab_hbm, tabv)
    pltpu.sync_copy(x_hbm.at[pl.ds(base, _CHUNK)], xv)
    pltpu.sync_copy(y_hbm.at[pl.ds(base, _CHUNK)], yv)

    acc = jnp.zeros((_LANES,), jnp.float32)
    for j in range(_DIM // _LANES):
        t = tabv[pl.ds(j * _LANES, _LANES)]
        acc = acc + t * t
    s = jnp.float32(0.0)
    for k in range(_LANES):
        s = s + acc[k]

    for i in range(_CHUNK // _LANES):
        xi = xv[pl.ds(i * _LANES, _LANES)]
        yi = yv[pl.ds(i * _LANES, _LANES)]
        xc = jnp.clip(xi, 0, 0)
        yc = jnp.clip(yi, 0, 0)
        m = jnp.logical_and(xc == 0, yc == 0)
        sv = jnp.full((_LANES,), s, jnp.float32)
        dots = jnp.where(m, sv, jnp.zeros((_LANES,), jnp.float32))
        outv[pl.ds(i * _LANES, _LANES)] = 1.0 / (1.0 + jnp.exp(-dots))

    pltpu.sync_copy(outv, out_hbm.at[pl.ds(base, _CHUNK)])


def kernel(batch_data, table):
    x = batch_data[0]
    y = batch_data[1]
    tab = table.reshape(_DIM)
    mesh = plsc.VectorSubcoreMesh(core_axis_name="c", subcore_axis_name="s")
    run = pl.kernel(
        _sc_body,
        mesh=mesh,
        out_type=jax.ShapeDtypeStruct((_BATCH,), jnp.float32),
        scratch_types=[
            pltpu.VMEM((_CHUNK,), jnp.int32),
            pltpu.VMEM((_CHUNK,), jnp.int32),
            pltpu.VMEM((_DIM,), jnp.float32),
            pltpu.VMEM((_CHUNK,), jnp.float32),
        ],
    )
    return run(x, y, tab)

# --- scband reference (transcript-rebuilt; emitter-appended) ---
"""Pipeline reference for scband-item2vec-59966333387139 (READ-ONLY COPY).

The authoritative reference and input builder live on the scoring server;
editing this copy changes nothing except your own understanding.
"""

import jax, jax.numpy as jnp
import numpy as np

VECTOR_DIM = 128
NUM_EMBEDDINGS = 1  # module constructs nn.Embedding(1, vector_dim)
BATCH = 16384

def setup_inputs(seed: int = 0) -> dict:
    key = jax.random.key(seed)
    k1, k2 = jax.random.split(key)
    # batch_data packs x (targets) and y (contexts) as rows 0 and 1
    batch_data = jax.random.randint(k1, (2, BATCH), 0, NUM_EMBEDDINGS, dtype=jnp.int64 if jax.config.read('jax_enable_x64') else jnp.int32)
    # embedding table, padding_idx=0 -> row 0 zeroed (torch semantics)
    table = jax.random.normal(k2, (NUM_EMBEDDINGS, VECTOR_DIM), dtype=jnp.float32)
    table = table.at[0].set(0.0)
    return {"batch_data": batch_data, "table": table}

def reference(batch_data, table):
    x = batch_data[0]
    y = batch_data[1]
    target = jnp.take(table, x, axis=0)
    context = jnp.take(table, y, axis=0)
    output = jnp.sum(target * context, axis=1)
    output = jax.nn.sigmoid(output)
    return output

if __name__ == "__main__":
    import jax
    _d = setup_inputs()
    print(jax.jit(kernel)(*tuple(_d.values())))

</pallas_src>

<mosaic_0001>
#map = affine_map<(d0, d1) -> (0)>
module attributes {stable_mosaic.version = 14 : i64} {
  func.func @_sc_body(%arg0: i32, %arg1: i32, %arg2: memref<16384xi32, #tpu.memory_space<hbm>>, %arg3: memref<16384xi32, #tpu.memory_space<hbm>>, %arg4: memref<128xf32, #tpu.memory_space<hbm>>, %arg5: memref<16384xf32, #tpu.memory_space<hbm>>, %arg6: memref<512xi32, #tpu.memory_space<vmem>>, %arg7: memref<512xi32, #tpu.memory_space<vmem>>, %arg8: memref<128xf32, #tpu.memory_space<vmem>>, %arg9: memref<512xf32, #tpu.memory_space<vmem>>) attributes {dimension_semantics = [#tpu.dimension_semantics<core_parallel>, #tpu.dimension_semantics<subcore_parallel>], iteration_bounds = array<i64: 2, 16>, scalar_prefetch = 0 : i64, scratch_operands = 4 : i64, tpu.core_type = #tpu.core_type<sc_vector_subcore>, window_params = [{transform_indices = #map}, {transform_indices = #map}, {transform_indices = #map}, {transform_indices = #map}]} {
    %mul3A = arith.constant 2 : i32
    %mul3A_0 = arith.muli %arg1, %mul3A : i32
    %add3A = arith.addi %mul3A_0, %arg0 : i32
    %mul3A_1 = arith.constant 512 : i32
    %mul3A_2 = arith.muli %add3A, %mul3A_1 : i32
    "tpu.region"() ({
      %run_scoped3A = tpu.sem_alloc : memref<!tpu.dma_semaphore, #tpu.memory_space<semaphore_mem>>
      tpu.enqueue_dma source(%arg4 : memref<128xf32, #tpu.memory_space<hbm>>) target(%arg8 : memref<128xf32, #tpu.memory_space<vmem>>) target_semaphore(%run_scoped3A : memref<!tpu.dma_semaphore, #tpu.memory_space<semaphore_mem>>)
      tpu.wait_dma2 semaphore(%run_scoped3A : memref<!tpu.dma_semaphore, #tpu.memory_space<semaphore_mem>>) src(%arg4 : memref<128xf32, #tpu.memory_space<hbm>>) dst(%arg8 : memref<128xf32, #tpu.memory_space<vmem>>)
      tpu.yield
    }) : () -> ()
    "tpu.region"() ({
      %run_scoped3A = tpu.sem_alloc : memref<!tpu.dma_semaphore, #tpu.memory_space<semaphore_mem>>
      %dma_start3A = tpu.memref_slice %arg2[%mul3A_2] : memref<16384xi32, #tpu.memory_space<hbm>> -> memref<512xi32, #tpu.memory_space<hbm>>
      %dma_start3A_1456 = tpu.memref_slice %arg2[%mul3A_2] : memref<16384xi32, #tpu.memory_space<hbm>> -> memref<512xi32, #tpu.memory_space<hbm>>
      tpu.enqueue_dma source(%dma_start3A_1456 : memref<512xi32, #tpu.memory_space<hbm>>) target(%arg6 : memref<512xi32, #tpu.memory_space<vmem>>) target_semaphore(%run_scoped3A : memref<!tpu.dma_semaphore, #tpu.memory_space<semaphore_mem>>)
      %dma_wait3A = tpu.memref_slice %arg2[%mul3A_2] : memref<16384xi32, #tpu.memory_space<hbm>> -> memref<512xi32, #tpu.memory_space<hbm>>
      %dma_wait3A_1457 = tpu.memref_slice %arg2[%mul3A_2] : memref<16384xi32, #tpu.memory_space<hbm>> -> memref<512xi32, #tpu.memory_space<hbm>>
      tpu.wait_dma2 semaphore(%run_scoped3A : memref<!tpu.dma_semaphore, #tpu.memory_space<semaphore_mem>>) src(%dma_wait3A_1457 : memref<512xi32, #tpu.memory_space<hbm>>) dst(%arg6 : memref<512xi32, #tpu.memory_space<vmem>>)
      tpu.yield
    }) : () -> ()
    "tpu.region"() ({
      %run_scoped3A = tpu.sem_alloc : memref<!tpu.dma_semaphore, #tpu.memory_space<semaphore_mem>>
      %dma_start3A = tpu.memref_slice %arg3[%mul3A_2] : memref<16384xi32, #tpu.memory_space<hbm>> -> memref<512xi32, #tpu.memory_space<hbm>>
      %dma_start3A_1456 = tpu.memref_slice %arg3[%mul3A_2] : memref<16384xi32, #tpu.memory_space<hbm>> -> memref<512xi32, #tpu.memory_space<hbm>>
      tpu.enqueue_dma source(%dma_start3A_1456 : memref<512xi32, #tpu.memory_space<hbm>>) target(%arg7 : memref<512xi32, #tpu.memory_space<vmem>>) target_semaphore(%run_scoped3A : memref<!tpu.dma_semaphore, #tpu.memory_space<semaphore_mem>>)
      %dma_wait3A = tpu.memref_slice %arg3[%mul3A_2] : memref<16384xi32, #tpu.memory_space<hbm>> -> memref<512xi32, #tpu.memory_space<hbm>>
      %dma_wait3A_1457 = tpu.memref_slice %arg3[%mul3A_2] : memref<16384xi32, #tpu.memory_space<hbm>> -> memref<512xi32, #tpu.memory_space<hbm>>
      tpu.wait_dma2 semaphore(%run_scoped3A : memref<!tpu.dma_semaphore, #tpu.memory_space<semaphore_mem>>) src(%dma_wait3A_1457 : memref<512xi32, #tpu.memory_space<hbm>>) dst(%arg7 : memref<512xi32, #tpu.memory_space<vmem>>)
      tpu.yield
    }) : () -> ()
    %broadcast_in_dim3A = arith.constant 0.000000e+00 : f32
    %broadcast_in_dim3A_3 = vector.broadcast %broadcast_in_dim3A : f32 to vector<16xf32>
    %get3A = arith.constant 0 : index
    %get3A_4 = tpu.vector_load %arg8[%get3A] {strides = array<i32>} : memref<128xf32, #tpu.memory_space<vmem>>, vector<16xf32>,
    %get3A_5 = vector.shape_cast %get3A_4 : vector<16xf32> to vector<16xf32>
    %mul3A_6 = arith.mulf %get3A_5, %get3A_5 : vector<16xf32>
    %add3A_7 = arith.addf %broadcast_in_dim3A_3, %mul3A_6 : vector<16xf32>
    %get3A_8 = arith.constant 16 : index
    %get3A_9 = tpu.vector_load %arg8[%get3A_8] {strides = array<i32>} : memref<128xf32, #tpu.memory_space<vmem>>, vector<16xf32>,
    %get3A_10 = vector.shape_cast %get3A_9 : vector<16xf32> to vector<16xf32>
    %mul3A_11 = arith.mulf %get3A_10, %get3A_10 : vector<16xf32>
    %add3A_12 = arith.addf %add3A_7, %mul3A_11 : vector<16xf32>
    %get3A_13 = arith.constant 32 : index
    %get3A_14 = tpu.vector_load %arg8[%get3A_13] {strides = array<i32>} : memref<128xf32, #tpu.memory_space<vmem>>, vector<16xf32>,
    %get3A_15 = vector.shape_cast %get3A_14 : vector<16xf32> to vector<16xf32>
    %mul3A_16 = arith.mulf %get3A_15, %get3A_15 : vector<16xf32>
    %add3A_17 = arith.addf %add3A_12, %mul3A_16 : vector<16xf32>
    %get3A_18 = arith.constant 48 : index
    %get3A_19 = tpu.vector_load %arg8[%get3A_18] {strides = array<i32>} : memref<128xf32, #tpu.memory_space<vmem>>, vector<16xf32>,
    %get3A_20 = vector.shape_cast %get3A_19 : vector<16xf32> to vector<16xf32>
    %mul3A_21 = arith.mulf %get3A_20, %get3A_20 : vector<16xf32>
    %add3A_22 = arith.addf %add3A_17, %mul3A_21 : vector<16xf32>
    %get3A_23 = arith.constant 64 : index
    %get3A_24 = tpu.vector_load %arg8[%get3A_23] {strides = array<i32>} : memref<128xf32, #tpu.memory_space<vmem>>, vector<16xf32>,
    %get3A_25 = vector.shape_cast %get3A_24 : vector<16xf32> to vector<16xf32>
    %mul3A_26 = arith.mulf %get3A_25, %get3A_25 : vector<16xf32>
    %add3A_27 = arith.addf %add3A_22, %mul3A_26 : vector<16xf32>
    %get3A_28 = arith.constant 80 : index
    %get3A_29 = tpu.vector_load %arg8[%get3A_28] {strides = array<i32>} : memref<128xf32, #tpu.memory_space<vmem>>, vector<16xf32>,
    %get3A_30 = vector.shape_cast %get3A_29 : vector<16xf32> to vector<16xf32>
    %mul3A_31 = arith.mulf %get3A_30, %get3A_30 : vector<16xf32>
    %add3A_32 = arith.addf %add3A_27, %mul3A_31 : vector<16xf32>
    %get3A_33 = arith.constant 96 : index
    %get3A_34 = tpu.vector_load %arg8[%get3A_33] {strides = array<i32>} : memref<128xf32, #tpu.memory_space<vmem>>, vector<16xf32>,
    %get3A_35 = vector.shape_cast %get3A_34 : vector<16xf32> to vector<16xf32>
    %mul3A_36 = arith.mulf %get3A_35, %get3A_35 : vector<16xf32>
    %add3A_37 = arith.addf %add3A_32, %mul3A_36 : vector<16xf32>
    %get3A_38 = arith.constant 112 : index
    %get3A_39 = tpu.vector_load %arg8[%get3A_38] {strides = array<i32>} : memref<128xf32, #tpu.memory_space<vmem>>, vector<16xf32>,
    %get3A_40 = vector.shape_cast %get3A_39 : vector<16xf32> to vector<16xf32>
    %mul3A_41 = arith.mulf %get3A_40, %get3A_40 : vector<16xf32>
    %add3A_42 = arith.addf %add3A_37, %mul3A_41 : vector<16xf32>
    %slice3A = vector.extract_strided_slice %add3A_42 {offsets = [0], sizes = [1], strides = [1]} : vector<16xf32> to vector<1xf32>
    %squeeze3A = vector.extract %slice3A[0] : f32 from vector<1xf32>
    %add3A_43 = arith.constant 0.000000e+00 : f32
    %add3A_44 = arith.addf %add3A_43, %squeeze3A : f32
    %slice3A_45 = vector.extract_strided_slice %add3A_42 {offsets = [1], sizes = [1], strides = [1]} : vector<16xf32> to vector<1xf32>
    %squeeze3A_46 = vector.extract %slice3A_45[0] : f32 from vector<1xf32>
    %add3A_47 = arith.addf %add3A_44, %squeeze3A_46 : f32
    %slice3A_48 = vector.extract_strided_slice %add3A_42 {offsets = [2], sizes = [1], strides = [1]} : vector<16xf32> to vector<1xf32>
    %squeeze3A_49 = vector.extract %slice3A_48[0] : f32 from vector<1xf32>
    %add3A_50 = arith.addf %add3A_47, %squeeze3A_49 : f32
    %slice3A_51 = vector.extract_strided_slice %add3A_42 {offsets = [3], sizes = [1], strides = [1]} : vector<16xf32> to vector<1xf32>
    %squeeze3A_52 = vector.extract %slice3A_51[0] : f32 from vector<1xf32>
    %add3A_53 = arith.addf %add3A_50, %squeeze3A_52 : f32
    %slice3A_54 = vector.extract_strided_slice %add3A_42 {offsets = [4], sizes = [1], strides = [1]} : vector<16xf32> to vector<1xf32>
    %squeeze3A_55 = vector.extract %slice3A_54[0] : f32 from vector<1xf32>
    %add3A_56 = arith.addf %add3A_53, %squeeze3A_55 : f32
    %slice3A_57 = vector.extract_strided_slice %add3A_42 {offsets = [5], sizes = [1], strides = [1]} : vector<16xf32> to vector<1xf32>
    %squeeze3A_58 = vector.extract %slice3A_57[0] : f32 from vector<1xf32>
    %add3A_59 = arith.addf %add3A_56, %squeeze3A_58 : f32
    %slice3A_60 = vector.extract_strided_slice %add3A_42 {offsets = [6], sizes = [1], strides = [1]} : vector<16xf32> to vector<1xf32>
    %squeeze3A_61 = vector.extract %slice3A_60[0] : f32 from vector<1xf32>
    %add3A_62 = arith.addf %add3A_59, %squeeze3A_61 : f32
    %slice3A_63 = vector.extract_strided_slice %add3A_42 {offsets = [7], sizes = [1], strides = [1]} : vector<16xf32> to vector<1xf32>
    %squeeze3A_64 = vector.extract %slice3A_63[0] : f32 from vector<1xf32>
    %add3A_65 = arith.addf %add3A_62, %squeeze3A_64 : f32
    %slice3A_66 = vector.extract_strided_slice %add3A_42 {offsets = [8], sizes = [1], strides = [1]} : vector<16xf32> to vector<1xf32>
    %squeeze3A_67 = vector.extract %slice3A_66[0] : f32 from vector<1xf32>
    %add3A_68 = arith.addf %add3A_65, %squeeze3A_67 : f32
    %slice3A_69 = vector.extract_strided_slice %add3A_42 {offsets = [9], sizes = [1], strides = [1]} : vector<16xf32> to vector<1xf32>
    %squeeze3A_70 = vector.extract %slice3A_69[0] : f32 from vector<1xf32>
    %add3A_71 = arith.addf %add3A_68, %squeeze3A_70 : f32
    %slice3A_72 = vector.extract_strided_slice %add3A_42 {offsets = [10], sizes = [1], strides = [1]} : vector<16xf32> to vector<1xf32>
    %squeeze3A_73 = vector.extract %slice3A_72[0] : f32 from vector<1xf32>
    %add3A_74 = arith.addf %add3A_71, %squeeze3A_73 : f32
    %slice3A_75 = vector.extract_strided_slice %add3A_42 {offsets = [11], sizes = [1], strides = [1]} : vector<16xf32> to vector<1xf32>
    %squeeze3A_76 = vector.extract %slice3A_75[0] : f32 from vector<1xf32>
    %add3A_77 = arith.addf %add3A_74, %squeeze3A_76 : f32
    %slice3A_78 = vector.extract_strided_slice %add3A_42 {offsets = [12], sizes = [1], strides = [1]} : vector<16xf32> to vector<1xf32>
    %squeeze3A_79 = vector.extract %slice3A_78[0] : f32 from vector<1xf32>
    %add3A_80 = arith.addf %add3A_77, %squeeze3A_79 : f32
    %slice3A_81 = vector.extract_strided_slice %add3A_42 {offsets = [13], sizes = [1], strides = [1]} : vector<16xf32> to vector<1xf32>
    %squeeze3A_82 = vector.extract %slice3A_81[0] : f32 from vector<1xf32>
    %add3A_83 = arith.addf %add3A_80, %squeeze3A_82 : f32
    %slice3A_84 = vector.extract_strided_slice %add3A_42 {offsets = [14], sizes = [1], strides = [1]} : vector<16xf32> to vector<1xf32>
    %squeeze3A_85 = vector.extract %slice3A_84[0] : f32 from vector<1xf32>
    %add3A_86 = arith.addf %add3A_83, %squeeze3A_85 : f32
    %slice3A_87 = vector.extract_strided_slice %add3A_42 {offsets = [15], sizes = [1], strides = [1]} : vector<16xf32> to vector<1xf32>
    %squeeze3A_88 = vector.extract %slice3A_87[0] : f32 from vector<1xf32>
    %add3A_89 = arith.addf %add3A_86, %squeeze3A_88 : f32
    %get3A_90 = arith.constant 0 : index
    %get3A_91 = tpu.vector_load %arg6[%get3A_90] {strides = array<i32>} : memref<512xi32, #tpu.memory_space<vmem>>, vector<16xi32>,
    %get3A_92 = vector.shape_cast %get3A_91 : vector<16xi32> to vector<16xi32>
    %get3A_93 = arith.constant 0 : index
    %get3A_94 = tpu.vector_load %arg7[%get3A_93] {strides = array<i32>} : memref<512xi32, #tpu.memory_space<vmem>>, vector<16xi32>,
    %get3A_95 = vector.shape_cast %get3A_94 : vector<16xi32> to vector<16xi32>
    %jit3A = arith.constant 0 : i32
    %jit3A_96 = arith.constant 0 : i32
    %max3A = vector.broadcast %jit3A : i32 to vector<16xi32>
    %max3A_97 = arith.maxsi %max3A, %get3A_92 : vector<16xi32>
    %min3A = vector.broadcast %jit3A_96 : i32 to vector<16xi32>
    %min3A_98 = arith.minsi %min3A, %max3A_97 : vector<16xi32>
    %jit3A_99 = arith.constant 0 : i32
    %jit3A_100 = arith.constant 0 : i32
    %max3A_101 = vector.broadcast %jit3A_99 : i32 to vector<16xi32>
    %max3A_102 = arith.maxsi %max3A_101, %get3A_95 : vector<16xi32>
    %min3A_103 = vector.broadcast %jit3A_100 : i32 to vector<16xi32>
    %min3A_104 = arith.minsi %min3A_103, %max3A_102 : vector<16xi32>
    %eq3A = arith.constant 0 : i32
    %eq3A_105 = vector.broadcast %eq3A : i32 to vector<16xi32>
    %eq3A_106 = arith.cmpi eq, %min3A_98, %eq3A_105 : vector<16xi32>
    %eq3A_107 = arith.constant 0 : i32
    %eq3A_108 = vector.broadcast %eq3A_107 : i32 to vector<16xi32>
    %eq3A_109 = arith.cmpi eq, %min3A_104, %eq3A_108 : vector<16xi32>
    %and3A = arith.andi %eq3A_106, %eq3A_109 : vector<16xi1>
    %broadcast_in_dim3A_110 = vector.broadcast %add3A_89 : f32 to vector<16xf32>
    %broadcast_in_dim3A_111 = arith.constant 0.000000e+00 : f32
    %broadcast_in_dim3A_112 = vector.broadcast %broadcast_in_dim3A_111 : f32 to vector<16xf32>
    %select_n3A = arith.select %and3A, %broadcast_in_dim3A_110, %broadcast_in_dim3A_112 : vector<16xi1>, vector<16xf32>
    %neg3A = arith.constant 0.000000e+00 : f32
    %neg3A_113 = vector.broadcast %neg3A : f32 to vector<16xf32>
    %neg3A_114 = arith.subf %neg3A_113, %select_n3A : vector<16xf32>
    %exp3A = math.exp %neg3A_114 : vector<16xf32>
    %add3A_115 = arith.constant 1.000000e+00 : f32
    %add3A_116 = vector.broadcast %add3A_115 : f32 to vector<16xf32>
    %add3A_117 = arith.addf %add3A_116, %exp3A : vector<16xf32>
    %div3A = arith.constant 1.000000e+00 : f32
    %div3A_118 = vector.broadcast %div3A : f32 to vector<16xf32>
    %div3A_119 = arith.divf %div3A_118, %add3A_117 : vector<16xf32>
    %swap3A = arith.constant 0 : index
    %swap3A_120 = tpu.vector_load %arg9[%swap3A] {strides = array<i32>} : memref<512xf32, #tpu.memory_space<vmem>>, vector<16xf32>,
    %swap3A_121 = vector.shape_cast %swap3A_120 : vector<16xf32> to vector<16xf32>
    %swap3A_122 = vector.shape_cast %div3A_119 : vector<16xf32> to vector<16xf32>
    tpu.vector_store %arg9[%swap3A], %swap3A_122 {strides = array<i32>} : memref<512xf32, #tpu.memory_space<vmem>>, vector<16xf32>,
    %get3A_123 = arith.constant 16 : index
    %get3A_124 = tpu.vector_load %arg6[%get3A_123] {strides = array<i32>} : memref<512xi32, #tpu.memory_space<vmem>>, vector<16xi32>,
    %get3A_125 = vector.shape_cast %get3A_124 : vector<16xi32> to vector<16xi32>
    %get3A_126 = arith.constant 16 : index
    %get3A_127 = tpu.vector_load %arg7[%get3A_126] {strides = array<i32>} : memref<512xi32, #tpu.memory_space<vmem>>, vector<16xi32>,
    %get3A_128 = vector.shape_cast %get3A_127 : vector<16xi32> to vector<16xi32>
    %jit3A_129 = arith.constant 0 : i32
    %jit3A_130 = arith.constant 0 : i32
    %max3A_131 = vector.broadcast %jit3A_129 : i32 to vector<16xi32>
    %max3A_132 = arith.maxsi %max3A_131, %get3A_125 : vector<16xi32>
    %min3A_133 = vector.broadcast %jit3A_130 : i32 to vector<16xi32>
    %min3A_134 = arith.minsi %min3A_133, %max3A_132 : vector<16xi32>
    %jit3A_135 = arith.constant 0 : i32
    %jit3A_136 = arith.constant 0 : i32
    %max3A_137 = vector.broadcast %jit3A_135 : i32 to vector<16xi32>
    %max3A_138 = arith.maxsi %max3A_137, %get3A_128 : vector<16xi32>
    %min3A_139 = vector.broadcast %jit3A_136 : i32 to vector<16xi32>
    %min3A_140 = arith.minsi %min3A_139, %max3A_138 : vector<16xi32>
    %eq3A_141 = arith.constant 0 : i32
    %eq3A_142 = vector.broadcast %eq3A_141 : i32 to vector<16xi32>
    %eq3A_143 = arith.cmpi eq, %min3A_134, %eq3A_142 : vector<16xi32>
    %eq3A_144 = arith.constant 0 : i32
    %eq3A_145 = vector.broadcast %eq3A_144 : i32 to vector<16xi32>
    %eq3A_146 = arith.cmpi eq, %min3A_140, %eq3A_145 : vector<16xi32>
    %and3A_147 = arith.andi %eq3A_143, %eq3A_146 : vector<16xi1>
    %broadcast_in_dim3A_148 = vector.broadcast %add3A_89 : f32 to vector<16xf32>
    %broadcast_in_dim3A_149 = arith.constant 0.000000e+00 : f32
    %broadcast_in_dim3A_150 = vector.broadcast %broadcast_in_dim3A_149 : f32 to vector<16xf32>
    %select_n3A_151 = arith.select %and3A_147, %broadcast_in_dim3A_148, %broadcast_in_dim3A_150 : vector<16xi1>, vector<16xf32>
    %neg3A_152 = arith.constant 0.000000e+00 : f32
    %neg3A_153 = vector.broadcast %neg3A_152 : f32 to vector<16xf32>
    %neg3A_154 = arith.subf %neg3A_153, %select_n3A_151 : vector<16xf32>
    %exp3A_155 = math.exp %neg3A_154 : vector<16xf32>
    %add3A_156 = arith.constant 1.000000e+00 : f32
    %add3A_157 = vector.broadcast %add3A_156 : f32 to vector<16xf32>
    %add3A_158 = arith.addf %add3A_157, %exp3A_155 : vector<16xf32>
    %div3A_159 = arith.constant 1.000000e+00 : f32
    %div3A_160 = vector.broadcast %div3A_159 : f32 to vector<16xf32>
    %div3A_161 = arith.divf %div3A_160, %add3A_158 : vector<16xf32>
    %swap3A_162 = arith.constant 16 : index
    %swap3A_163 = tpu.vector_load %arg9[%swap3A_162] {strides = array<i32>} : memref<512xf32, #tpu.memory_space<vmem>>, vector<16xf32>,
    %swap3A_164 = vector.shape_cast %swap3A_163 : vector<16xf32> to vector<16xf32>
    %swap3A_165 = vector.shape_cast %div3A_161 : vector<16xf32> to vector<16xf32>
    tpu.vector_store %arg9[%swap3A_162], %swap3A_165 {strides = array<i32>} : memref<512xf32, #tpu.memory_space<vmem>>, vector<16xf32>,
    %get3A_166 = arith.constant 32 : index
    %get3A_167 = tpu.vector_load %arg6[%get3A_166] {strides = array<i32>} : memref<512xi32, #tpu.memory_space<vmem>>, vector<16xi32>,
    %get3A_168 = vector.shape_cast %get3A_167 : vector<16xi32> to vector<16xi32>
    %get3A_169 = arith.constant 32 : index
    %get3A_170 = tpu.vector_load %arg7[%get3A_169] {strides = array<i32>} : memref<512xi32, #tpu.memory_space<vmem>>, vector<16xi32>,
    %get3A_171 = vector.shape_cast %get3A_170 : vector<16xi32> to vector<16xi32>
    %jit3A_172 = arith.constant 0 : i32
    %jit3A_173 = arith.constant 0 : i32
    %max3A_174 = vector.broadcast %jit3A_172 : i32 to vector<16xi32>
    %max3A_175 = arith.maxsi %max3A_174, %get3A_168 : vector<16xi32>
    %min3A_176 = vector.broadcast %jit3A_173 : i32 to vector<16xi32>
    %min3A_177 = arith.minsi %min3A_176, %max3A_175 : vector<16xi32>
    %jit3A_178 = arith.constant 0 : i32
    %jit3A_179 = arith.constant 0 : i32
    %max3A_180 = vector.broadcast %jit3A_178 : i32 to vector<16xi32>
    %max3A_181 = arith.maxsi %max3A_180, %get3A_171 : vector<16xi32>
    %min3A_182 = vector.broadcast %jit3A_179 : i32 to vector<16xi32>
    %min3A_183 = arith.minsi %min3A_182, %max3A_181 : vector<16xi32>
    %eq3A_184 = arith.constant 0 : i32
    %eq3A_185 = vector.broadcast %eq3A_184 : i32 to vector<16xi32>
    %eq3A_186 = arith.cmpi eq, %min3A_177, %eq3A_185 : vector<16xi32>
    %eq3A_187 = arith.constant 0 : i32
    %eq3A_188 = vector.broadcast %eq3A_187 : i32 to vector<16xi32>
    %eq3A_189 = arith.cmpi eq, %min3A_183, %eq3A_188 : vector<16xi32>
    %and3A_190 = arith.andi %eq3A_186, %eq3A_189 : vector<16xi1>
    %broadcast_in_dim3A_191 = vector.broadcast %add3A_89 : f32 to vector<16xf32>
    %broadcast_in_dim3A_192 = arith.constant 0.000000e+00 : f32
    %broadcast_in_dim3A_193 = vector.broadcast %broadcast_in_dim3A_192 : f32 to vector<16xf32>
    %select_n3A_194 = arith.select %and3A_190, %broadcast_in_dim3A_191, %broadcast_in_dim3A_193 : vector<16xi1>, vector<16xf32>
    %neg3A_195 = arith.constant 0.000000e+00 : f32
    %neg3A_196 = vector.broadcast %neg3A_195 : f32 to vector<16xf32>
    %neg3A_197 = arith.subf %neg3A_196, %select_n3A_194 : vector<16xf32>
    %exp3A_198 = math.exp %neg3A_197 : vector<16xf32>
    %add3A_199 = arith.constant 1.000000e+00 : f32
    %add3A_200 = vector.broadcast %add3A_199 : f32 to vector<16xf32>
    %add3A_201 = arith.addf %add3A_200, %exp3A_198 : vector<16xf32>
    %div3A_202 = arith.constant 1.000000e+00 : f32
    %div3A_203 = vector.broadcast %div3A_202 : f32 to vector<16xf32>
    %div3A_204 = arith.divf %div3A_203, %add3A_201 : vector<16xf32>
    %swap3A_205 = arith.constant 32 : index
    %swap3A_206 = tpu.vector_load %arg9[%swap3A_205] {strides = array<i32>} : memref<512xf32, #tpu.memory_space<vmem>>, vector<16xf32>,
    %swap3A_207 = vector.shape_cast %swap3A_206 : vector<16xf32> to vector<16xf32>
    %swap3A_208 = vector.shape_cast %div3A_204 : vector<16xf32> to vector<16xf32>
    tpu.vector_store %arg9[%swap3A_205], %swap3A_208 {strides = array<i32>} : memref<512xf32, #tpu.memory_space<vmem>>, vector<16xf32>,
    %get3A_209 = arith.constant 48 : index
    %get3A_210 = tpu.vector_load %arg6[%get3A_209] {strides = array<i32>} : memref<512xi32, #tpu.memory_space<vmem>>, vector<16xi32>,
    %get3A_211 = vector.shape_cast %get3A_210 : vector<16xi32> to vector<16xi32>
    %get3A_212 = arith.constant 48 : index
    %get3A_213 = tpu.vector_load %arg7[%get3A_212] {strides = array<i32>} : memref<512xi32, #tpu.memory_space<vmem>>, vector<16xi32>,
    %get3A_214 = vector.shape_cast %get3A_213 : vector<16xi32> to vector<16xi32>
    %jit3A_215 = arith.constant 0 : i32
    %jit3A_216 = arith.constant 0 : i32
    %max3A_217 = vector.broadcast %jit3A_215 : i32 to vector<16xi32>
    %max3A_218 = arith.maxsi %max3A_217, %get3A_211 : vector<16xi32>
    %min3A_219 = vector.broadcast %jit3A_216 : i32 to vector<16xi32>
    %min3A_220 = arith.minsi %min3A_219, %max3A_218 : vector<16xi32>
    %jit3A_221 = arith.constant 0 : i32
    %jit3A_222 = arith.constant 0 : i32
    %max3A_223 = vector.broadcast %jit3A_221 : i32 to vector<16xi32>
    %max3A_224 = arith.maxsi %max3A_223, %get3A_214 : vector<16xi32>
    %min3A_225 = vector.broadcast %jit3A_222 : i32 to vector<16xi32>
    %min3A_226 = arith.minsi %min3A_225, %max3A_224 : vector<16xi32>
    %eq3A_227 = arith.constant 0 : i32
    %eq3A_228 = vector.broadcast %eq3A_227 : i32 to vector<16xi32>
    %eq3A_229 = arith.cmpi eq, %min3A_220, %eq3A_228 : vector<16xi32>
    %eq3A_230 = arith.constant 0 : i32
    %eq3A_231 = vector.broadcast %eq3A_230 : i32 to vector<16xi32>
    %eq3A_232 = arith.cmpi eq, %min3A_226, %eq3A_231 : vector<16xi32>
    %and3A_233 = arith.andi %eq3A_229, %eq3A_232 : vector<16xi1>
    %broadcast_in_dim3A_234 = vector.broadcast %add3A_89 : f32 to vector<16xf32>
    %broadcast_in_dim3A_235 = arith.constant 0.000000e+00 : f32
    %broadcast_in_dim3A_236 = vector.broadcast %broadcast_in_dim3A_235 : f32 to vector<16xf32>
    %select_n3A_237 = arith.select %and3A_233, %broadcast_in_dim3A_234, %broadcast_in_dim3A_236 : vector<16xi1>, vector<16xf32>
    %neg3A_238 = arith.constant 0.000000e+00 : f32
    %neg3A_239 = vector.broadcast %neg3A_238 : f32 to vector<16xf32>
    %neg3A_240 = arith.subf %neg3A_239, %select_n3A_237 : vector<16xf32>
    %exp3A_241 = math.exp %neg3A_240 : vector<16xf32>
    %add3A_242 = arith.constant 1.000000e+00 : f32
    %add3A_243 = vector.broadcast %add3A_242 : f32 to vector<16xf32>
    %add3A_244 = arith.addf %add3A_243, %exp3A_241 : vector<16xf32>
    %div3A_245 = arith.constant 1.000000e+00 : f32
    %div3A_246 = vector.broadcast %div3A_245 : f32 to vector<16xf32>
    %div3A_247 = arith.divf %div3A_246, %add3A_244 : vector<16xf32>
    %swap3A_248 = arith.constant 48 : index
    %swap3A_249 = tpu.vector_load %arg9[%swap3A_248] {strides = array<i32>} : memref<512xf32, #tpu.memory_space<vmem>>, vector<16xf32>,
    %swap3A_250 = vector.shape_cast %swap3A_249 : vector<16xf32> to vector<16xf32>
    %swap3A_251 = vector.shape_cast %div3A_247 : vector<16xf32> to vector<16xf32>
    tpu.vector_store %arg9[%swap3A_248], %swap3A_251 {strides = array<i32>} : memref<512xf32, #tpu.memory_space<vmem>>, vector<16xf32>,
    %get3A_252 = arith.constant 64 : index
    %get3A_253 = tpu.vector_load %arg6[%get3A_252] {strides = array<i32>} : memref<512xi32, #tpu.memory_space<vmem>>, vector<16xi32>,
    %get3A_254 = vector.shape_cast %get3A_253 : vector<16xi32> to vector<16xi32>
    %get3A_255 = arith.constant 64 : index
    %get3A_256 = tpu.vector_load %arg7[%get3A_255] {strides = array<i32>} : memref<512xi32, #tpu.memory_space<vmem>>, vector<16xi32>,
    %get3A_257 = vector.shape_cast %get3A_256 : vector<16xi32> to vector<16xi32>
    %jit3A_258 = arith.constant 0 : i32
    %jit3A_259 = arith.constant 0 : i32
    %max3A_260 = vector.broadcast %jit3A_258 : i32 to vector<16xi32>
    %max3A_261 = arith.maxsi %max3A_260, %get3A_254 : vector<16xi32>
    %min3A_262 = vector.broadcast %jit3A_259 : i32 to vector<16xi32>
    %min3A_263 = arith.minsi %min3A_262, %max3A_261 : vector<16xi32>
    %jit3A_264 = arith.constant 0 : i32
    %jit3A_265 = arith.constant 0 : i32
    %max3A_266 = vector.broadcast %jit3A_264 : i32 to vector<16xi32>
    %max3A_267 = arith.maxsi %max3A_266, %get3A_257 : vector<16xi32>
    %min3A_268 = vector.broadcast %jit3A_265 : i32 to vector<16xi32>
    %min3A_269 = arith.minsi %min3A_268, %max3A_267 : vector<16xi32>
    %eq3A_270 = arith.constant 0 : i32
    %eq3A_271 = vector.broadcast %eq3A_270 : i32 to vector<16xi32>
    %eq3A_272 = arith.cmpi eq, %min3A_263, %eq3A_271 : vector<16xi32>
    %eq3A_273 = arith.constant 0 : i32
    %eq3A_274 = vector.broadcast %eq3A_273 : i32 to vector<16xi32>
    %eq3A_275 = arith.cmpi eq, %min3A_269, %eq3A_274 : vector<16xi32>
    %and3A_276 = arith.andi %eq3A_272, %eq3A_275 : vector<16xi1>
    %broadcast_in_dim3A_277 = vector.broadcast %add3A_89 : f32 to vector<16xf32>
    %broadcast_in_dim3A_278 = arith.constant 0.000000e+00 : f32
    %broadcast_in_dim3A_279 = vector.broadcast %broadcast_in_dim3A_278 : f32 to vector<16xf32>
    %select_n3A_280 = arith.select %and3A_276, %broadcast_in_dim3A_277, %broadcast_in_dim3A_279 : vector<16xi1>, vector<16xf32>
    %neg3A_281 = arith.constant 0.000000e+00 : f32
    %neg3A_282 = vector.broadcast %neg3A_281 : f32 to vector<16xf32>
    %neg3A_283 = arith.subf %neg3A_282, %select_n3A_280 : vector<16xf32>
    %exp3A_284 = math.exp %neg3A_283 : vector<16xf32>
    %add3A_285 = arith.constant 1.000000e+00 : f32
    %add3A_286 = vector.broadcast %add3A_285 : f32 to vector<16xf32>
    %add3A_287 = arith.addf %add3A_286, %exp3A_284 : vector<16xf32>
    %div3A_288 = arith.constant 1.000000e+00 : f32
    %div3A_289 = vector.broadcast %div3A_288 : f32 to vector<16xf32>
    %div3A_290 = arith.divf %div3A_289, %add3A_287 : vector<16xf32>
    %swap3A_291 = arith.constant 64 : index
    %swap3A_292 = tpu.vector_load %arg9[%swap3A_291] {strides = array<i32>} : memref<512xf32, #tpu.memory_space<vmem>>, vector<16xf32>,
    %swap3A_293 = vector.shape_cast %swap3A_292 : vector<16xf32> to vector<16xf32>
    %swap3A_294 = vector.shape_cast %div3A_290 : vector<16xf32> to vector<16xf32>
    tpu.vector_store %arg9[%swap3A_291], %swap3A_294 {strides = array<i32>} : memref<512xf32, #tpu.memory_space<vmem>>, vector<16xf32>,
    %get3A_295 = arith.constant 80 : index
    %get3A_296 = tpu.vector_load %arg6[%get3A_295] {strides = array<i32>} : memref<512xi32, #tpu.memory_space<vmem>>, vector<16xi32>,
    %get3A_297 = vector.shape_cast %get3A_296 : vector<16xi32> to vector<16xi32>
    %get3A_298 = arith.constant 80 : index
    %get3A_299 = tpu.vector_load %arg7[%get3A_298] {strides = array<i32>} : memref<512xi32, #tpu.memory_space<vmem>>, vector<16xi32>,
    %get3A_300 = vector.shape_cast %get3A_299 : vector<16xi32> to vector<16xi32>
    %jit3A_301 = arith.constant 0 : i32
    %jit3A_302 = arith.constant 0 : i32
    %max3A_303 = vector.broadcast %jit3A_301 : i32 to vector<16xi32>
    %max3A_304 = arith.maxsi %max3A_303, %get3A_297 : vector<16xi32>
    %min3A_305 = vector.broadcast %jit3A_302 : i32 to vector<16xi32>
    %min3A_306 = arith.minsi %min3A_305, %max3A_304 : vector<16xi32>
    %jit3A_307 = arith.constant 0 : i32
    %jit3A_308 = arith.constant 0 : i32
    %max3A_309 = vector.broadcast %jit3A_307 : i32 to vector<16xi32>
    %max3A_310 = arith.maxsi %max3A_309, %get3A_300 : vector<16xi32>
    %min3A_311 = vector.broadcast %jit3A_308 : i32 to vector<16xi32>
    %min3A_312 = arith.minsi %min3A_311, %max3A_310 : vector<16xi32>
    %eq3A_313 = arith.constant 0 : i32
    %eq3A_314 = vector.broadcast %eq3A_313 : i32 to vector<16xi32>
    %eq3A_315 = arith.cmpi eq, %min3A_306, %eq3A_314 : vector<16xi32>
    %eq3A_316 = arith.constant 0 : i32
    %eq3A_317 = vector.broadcast %eq3A_316 : i32 to vector<16xi32>
    %eq3A_318 = arith.cmpi eq, %min3A_312, %eq3A_317 : vector<16xi32>
    %and3A_319 = arith.andi %eq3A_315, %eq3A_318 : vector<16xi1>
    %broadcast_in_dim3A_320 = vector.broadcast %add3A_89 : f32 to vector<16xf32>
    %broadcast_in_dim3A_321 = arith.constant 0.000000e+00 : f32
    %broadcast_in_dim3A_322 = vector.broadcast %broadcast_in_dim3A_321 : f32 to vector<16xf32>
    %select_n3A_323 = arith.select %and3A_319, %broadcast_in_dim3A_320, %broadcast_in_dim3A_322 : vector<16xi1>, vector<16xf32>
    %neg3A_324 = arith.constant 0.000000e+00 : f32
    %neg3A_325 = vector.broadcast %neg3A_324 : f32 to vector<16xf32>
    %neg3A_326 = arith.subf %neg3A_325, %select_n3A_323 : vector<16xf32>
    %exp3A_327 = math.exp %neg3A_326 : vector<16xf32>
    %add3A_328 = arith.constant 1.000000e+00 : f32
    %add3A_329 = vector.broadcast %add3A_328 : f32 to vector<16xf32>
    %add3A_330 = arith.addf %add3A_329, %exp3A_327 : vector<16xf32>
    %div3A_331 = arith.constant 1.000000e+00 : f32
    %div3A_332 = vector.broadcast %div3A_331 : f32 to vector<16xf32>
    %div3A_333 = arith.divf %div3A_332, %add3A_330 : vector<16xf32>
    %swap3A_334 = arith.constant 80 : index
    %swap3A_335 = tpu.vector_load %arg9[%swap3A_334] {strides = array<i32>} : memref<512xf32, #tpu.memory_space<vmem>>, vector<16xf32>,
    %swap3A_336 = vector.shape_cast %swap3A_335 : vector<16xf32> to vector<16xf32>
    %swap3A_337 = vector.shape_cast %div3A_333 : vector<16xf32> to vector<16xf32>
    tpu.vector_store %arg9[%swap3A_334], %swap3A_337 {strides = array<i32>} : memref<512xf32, #tpu.memory_space<vmem>>, vector<16xf32>,
    %get3A_338 = arith.constant 96 : index
    %get3A_339 = tpu.vector_load %arg6[%get3A_338] {strides = array<i32>} : memref<512xi32, #tpu.memory_space<vmem>>, vector<16xi32>,
    %get3A_340 = vector.shape_cast %get3A_339 : vector<16xi32> to vector<16xi32>
    %get3A_341 = arith.constant 96 : index
    %get3A_342 = tpu.vector_load %arg7[%get3A_341] {strides = array<i32>} : memref<512xi32, #tpu.memory_space<vmem>>, vector<16xi32>,
    %get3A_343 = vector.shape_cast %get3A_342 : vector<16xi32> to vector<16xi32>
    %jit3A_344 = arith.constant 0 : i32
    %jit3A_345 = arith.constant 0 : i32
    %max3A_346 = vector.broadcast %jit3A_344 : i32 to vector<16xi32>
    %max3A_347 = arith.maxsi %max3A_346, %get3A_340 : vector<16xi32>
    %min3A_348 = vector.broadcast %jit3A_345 : i32 to vector<16xi32>
    %min3A_349 = arith.minsi %min3A_348, %max3A_347 : vector<16xi32>
    %jit3A_350 = arith.constant 0 : i32
    %jit3A_351 = arith.constant 0 : i32
    %max3A_352 = vector.broadcast %jit3A_350 : i32 to vector<16xi32>
    %max3A_353 = arith.maxsi %max3A_352, %get3A_343 : vector<16xi32>
    %min3A_354 = vector.broadcast %jit3A_351 : i32 to vector<16xi32>
    %min3A_355 = arith.minsi %min3A_354, %max3A_353 : vector<16xi32>
    %eq3A_356 = arith.constant 0 : i32
    %eq3A_357 = vector.broadcast %eq3A_356 : i32 to vector<16xi32>
    %eq3A_358 = arith.cmpi eq, %min3A_349, %eq3A_357 : vector<16xi32>
    %eq3A_359 = arith.constant 0 : i32
    %eq3A_360 = vector.broadcast %eq3A_359 : i32 to vector<16xi32>
    %eq3A_361 = arith.cmpi eq, %min3A_355, %eq3A_360 : vector<16xi32>
    %and3A_362 = arith.andi %eq3A_358, %eq3A_361 : vector<16xi1>
    %broadcast_in_dim3A_363 = vector.broadcast %add3A_89 : f32 to vector<16xf32>
    %broadcast_in_dim3A_364 = arith.constant 0.000000e+00 : f32
    %broadcast_in_dim3A_365 = vector.broadcast %broadcast_in_dim3A_364 : f32 to vector<16xf32>
    %select_n3A_366 = arith.select %and3A_362, %broadcast_in_dim3A_363, %broadcast_in_dim3A_365 : vector<16xi1>, vector<16xf32>
    %neg3A_367 = arith.constant 0.000000e+00 : f32
    %neg3A_368 = vector.broadcast %neg3A_367 : f32 to vector<16xf32>
    %neg3A_369 = arith.subf %neg3A_368, %select_n3A_366 : vector<16xf32>
    %exp3A_370 = math.exp %neg3A_369 : vector<16xf32>
    %add3A_371 = arith.constant 1.000000e+00 : f32
    %add3A_372 = vector.broadcast %add3A_371 : f32 to vector<16xf32>
    %add3A_373 = arith.addf %add3A_372, %exp3A_370 : vector<16xf32>
    %div3A_374 = arith.constant 1.000000e+00 : f32
    %div3A_375 = vector.broadcast %div3A_374 : f32 to vector<16xf32>
    %div3A_376 = arith.divf %div3A_375, %add3A_373 : vector<16xf32>
    %swap3A_377 = arith.constant 96 : index
    %swap3A_378 = tpu.vector_load %arg9[%swap3A_377] {strides = array<i32>} : memref<512xf32, #tpu.memory_space<vmem>>, vector<16xf32>,
    %swap3A_379 = vector.shape_cast %swap3A_378 : vector<16xf32> to vector<16xf32>
    %swap3A_380 = vector.shape_cast %div3A_376 : vector<16xf32> to vector<16xf32>
    tpu.vector_store %arg9[%swap3A_377], %swap3A_380 {strides = array<i32>} : memref<512xf32, #tpu.memory_space<vmem>>, vector<16xf32>,
    %get3A_381 = arith.constant 112 : index
    %get3A_382 = tpu.vector_load %arg6[%get3A_381] {strides = array<i32>} : memref<512xi32, #tpu.memory_space<vmem>>, vector<16xi32>,
    %get3A_383 = vector.shape_cast %get3A_382 : vector<16xi32> to vector<16xi32>
    %get3A_384 = arith.constant 112 : index
    %get3A_385 = tpu.vector_load %arg7[%get3A_384] {strides = array<i32>} : memref<512xi32, #tpu.memory_space<vmem>>, vector<16xi32>,
    %get3A_386 = vector.shape_cast %get3A_385 : vector<16xi32> to vector<16xi32>
    %jit3A_387 = arith.constant 0 : i32
    %jit3A_388 = arith.constant 0 : i32
    %max3A_389 = vector.broadcast %jit3A_387 : i32 to vector<16xi32>
    %max3A_390 = arith.maxsi %max3A_389, %get3A_383 : vector<16xi32>
    %min3A_391 = vector.broadcast %jit3A_388 : i32 to vector<16xi32>
    %min3A_392 = arith.minsi %min3A_391, %max3A_390 : vector<16xi32>
    %jit3A_393 = arith.constant 0 : i32
    %jit3A_394 = arith.constant 0 : i32
    %max3A_395 = vector.broadcast %jit3A_393 : i32 to vector<16xi32>
    %max3A_396 = arith.maxsi %max3A_395, %get3A_386 : vector<16xi32>
    %min3A_397 = vector.broadcast %jit3A_394 : i32 to vector<16xi32>
    %min3A_398 = arith.minsi %min3A_397, %max3A_396 : vector<16xi32>
    %eq3A_399 = arith.constant 0 : i32
    %eq3A_400 = vector.broadcast %eq3A_399 : i32 to vector<16xi32>
    %eq3A_401 = arith.cmpi eq, %min3A_392, %eq3A_400 : vector<16xi32>
    %eq3A_402 = arith.constant 0 : i32
    %eq3A_403 = vector.broadcast %eq3A_402 : i32 to vector<16xi32>
    %eq3A_404 = arith.cmpi eq, %min3A_398, %eq3A_403 : vector<16xi32>
    %and3A_405 = arith.andi %eq3A_401, %eq3A_404 : vector<16xi1>
    %broadcast_in_dim3A_406 = vector.broadcast %add3A_89 : f32 to vector<16xf32>
    %broadcast_in_dim3A_407 = arith.constant 0.000000e+00 : f32
    %broadcast_in_dim3A_408 = vector.broadcast %broadcast_in_dim3A_407 : f32 to vector<16xf32>
    %select_n3A_409 = arith.select %and3A_405, %broadcast_in_dim3A_406, %broadcast_in_dim3A_408 : vector<16xi1>, vector<16xf32>
    %neg3A_410 = arith.constant 0.000000e+00 : f32
    %neg3A_411 = vector.broadcast %neg3A_410 : f32 to vector<16xf32>
    %neg3A_412 = arith.subf %neg3A_411, %select_n3A_409 : vector<16xf32>
    %exp3A_413 = math.exp %neg3A_412 : vector<16xf32>
    %add3A_414 = arith.constant 1.000000e+00 : f32
    %add3A_415 = vector.broadcast %add3A_414 : f32 to vector<16xf32>
    %add3A_416 = arith.addf %add3A_415, %exp3A_413 : vector<16xf32>
    %div3A_417 = arith.constant 1.000000e+00 : f32
    %div3A_418 = vector.broadcast %div3A_417 : f32 to vector<16xf32>
    %div3A_419 = arith.divf %div3A_418, %add3A_416 : vector<16xf32>
    %swap3A_420 = arith.constant 112 : index
    %swap3A_421 = tpu.vector_load %arg9[%swap3A_420] {strides = array<i32>} : memref<512xf32, #tpu.memory_space<vmem>>, vector<16xf32>,
    %swap3A_422 = vector.shape_cast %swap3A_421 : vector<16xf32> to vector<16xf32>
    %swap3A_423 = vector.shape_cast %div3A_419 : vector<16xf32> to vector<16xf32>
    tpu.vector_store %arg9[%swap3A_420], %swap3A_423 {strides = array<i32>} : memref<512xf32, #tpu.memory_space<vmem>>, vector<16xf32>,
    %get3A_424 = arith.constant 128 : index
    %get3A_425 = tpu.vector_load %arg6[%get3A_424] {strides = array<i32>} : memref<512xi32, #tpu.memory_space<vmem>>, vector<16xi32>,
    %get3A_426 = vector.shape_cast %get3A_425 : vector<16xi32> to vector<16xi32>
    %get3A_427 = arith.constant 128 : index
    %get3A_428 = tpu.vector_load %arg7[%get3A_427] {strides = array<i32>} : memref<512xi32, #tpu.memory_space<vmem>>, vector<16xi32>,
    %get3A_429 = vector.shape_cast %get3A_428 : vector<16xi32> to vector<16xi32>
    %jit3A_430 = arith.constant 0 : i32
    %jit3A_431 = arith.constant 0 : i32
    %max3A_432 = vector.broadcast %jit3A_430 : i32 to vector<16xi32>
    %max3A_433 = arith.maxsi %max3A_432, %get3A_426 : vector<16xi32>
    %min3A_434 = vector.broadcast %jit3A_431 : i32 to vector<16xi32>
    %min3A_435 = arith.minsi %min3A_434, %max3A_433 : vector<16xi32>
    %jit3A_436 = arith.constant 0 : i32
    %jit3A_437 = arith.constant 0 : i32
    %max3A_438 = vector.broadcast %jit3A_436 : i32 to vector<16xi32>
    %max3A_439 = arith.maxsi %max3A_438, %get3A_429 : vector<16xi32>
    %min3A_440 = vector.broadcast %jit3A_437 : i32 to vector<16xi32>
    %min3A_441 = arith.minsi %min3A_440, %max3A_439 : vector<16xi32>
    %eq3A_442 = arith.constant 0 : i32
    %eq3A_443 = vector.broadcast %eq3A_442 : i32 to vector<16xi32>
    %eq3A_444 = arith.cmpi eq, %min3A_435, %eq3A_443 : vector<16xi32>
    %eq3A_445 = arith.constant 0 : i32
    %eq3A_446 = vector.broadcast %eq3A_445 : i32 to vector<16xi32>
    %eq3A_447 = arith.cmpi eq, %min3A_441, %eq3A_446 : vector<16xi32>
    %and3A_448 = arith.andi %eq3A_444, %eq3A_447 : vector<16xi1>
    %broadcast_in_dim3A_449 = vector.broadcast %add3A_89 : f32 to vector<16xf32>
    %broadcast_in_dim3A_450 = arith.constant 0.000000e+00 : f32
    %broadcast_in_dim3A_451 = vector.broadcast %broadcast_in_dim3A_450 : f32 to vector<16xf32>
    %select_n3A_452 = arith.select %and3A_448, %broadcast_in_dim3A_449, %broadcast_in_dim3A_451 : vector<16xi1>, vector<16xf32>
    %neg3A_453 = arith.constant 0.000000e+00 : f32
    %neg3A_454 = vector.broadcast %neg3A_453 : f32 to vector<16xf32>
    %neg3A_455 = arith.subf %neg3A_454, %select_n3A_452 : vector<16xf32>
    %exp3A_456 = math.exp %neg3A_455 : vector<16xf32>
    %add3A_457 = arith.constant 1.000000e+00 : f32
    %add3A_458 = vector.broadcast %add3A_457 : f32 to vector<16xf32>
    %add3A_459 = arith.addf %add3A_458, %exp3A_456 : vector<16xf32>
    %div3A_460 = arith.constant 1.000000e+00 : f32
    %div3A_461 = vector.broadcast %div3A_460 : f32 to vector<16xf32>
    %div3A_462 = arith.divf %div3A_461, %add3A_459 : vector<16xf32>
    %swap3A_463 = arith.constant 128 : index
    %swap3A_464 = tpu.vector_load %arg9[%swap3A_463] {strides = array<i32>} : memref<512xf32, #tpu.memory_space<vmem>>, vector<16xf32>,
    %swap3A_465 = vector.shape_cast %swap3A_464 : vector<16xf32> to vector<16xf32>
    %swap3A_466 = vector.shape_cast %div3A_462 : vector<16xf32> to vector<16xf32>
    tpu.vector_store %arg9[%swap3A_463], %swap3A_466 {strides = array<i32>} : memref<512xf32, #tpu.memory_space<vmem>>, vector<16xf32>,
    %get3A_467 = arith.constant 144 : index
    %get3A_468 = tpu.vector_load %arg6[%get3A_467] {strides = array<i32>} : memref<512xi32, #tpu.memory_space<vmem>>, vector<16xi32>,
    %get3A_469 = vector.shape_cast %get3A_468 : vector<16xi32> to vector<16xi32>
    %get3A_470 = arith.constant 144 : index
    %get3A_471 = tpu.vector_load %arg7[%get3A_470] {strides = array<i32>} : memref<512xi32, #tpu.memory_space<vmem>>, vector<16xi32>,
    %get3A_472 = vector.shape_cast %get3A_471 : vector<16xi32> to vector<16xi32>
    %jit3A_473 = arith.constant 0 : i32
    %jit3A_474 = arith.constant 0 : i32
    %max3A_475 = vector.broadcast %jit3A_473 : i32 to vector<16xi32>
    %max3A_476 = arith.maxsi %max3A_475, %get3A_469 : vector<16xi32>
    %min3A_477 = vector.broadcast %jit3A_474 : i32 to vector<16xi32>
    %min3A_478 = arith.minsi %min3A_477, %max3A_476 : vector<16xi32>
    %jit3A_479 = arith.constant 0 : i32
    %jit3A_480 = arith.constant 0 : i32
    %max3A_481 = vector.broadcast %jit3A_479 : i32 to vector<16xi32>
    %max3A_482 = arith.maxsi %max3A_481, %get3A_472 : vector<16xi32>
    %min3A_483 = vector.broadcast %jit3A_480 : i32 to vector<16xi32>
    %min3A_484 = arith.minsi %min3A_483, %max3A_482 : vector<16xi32>
    %eq3A_485 = arith.constant 0 : i32
    %eq3A_486 = vector.broadcast %eq3A_485 : i32 to vector<16xi32>
    %eq3A_487 = arith.cmpi eq, %min3A_478, %eq3A_486 : vector<16xi32>
    %eq3A_488 = arith.constant 0 : i32
    %eq3A_489 = vector.broadcast %eq3A_488 : i32 to vector<16xi32>
    %eq3A_490 = arith.cmpi eq, %min3A_484, %eq3A_489 : vector<16xi32>
    %and3A_491 = arith.andi %eq3A_487, %eq3A_490 : vector<16xi1>
    %broadcast_in_dim3A_492 = vector.broadcast %add3A_89 : f32 to vector<16xf32>
    %broadcast_in_dim3A_493 = arith.constant 0.000000e+00 : f32
    %broadcast_in_dim3A_494 = vector.broadcast %broadcast_in_dim3A_493 : f32 to vector<16xf32>
    %select_n3A_495 = arith.select %and3A_491, %broadcast_in_dim3A_492, %broadcast_in_dim3A_494 : vector<16xi1>, vector<16xf32>
    %neg3A_496 = arith.constant 0.000000e+00 : f32
    %neg3A_497 = vector.broadcast %neg3A_496 : f32 to vector<16xf32>
    %neg3A_498 = arith.subf %neg3A_497, %select_n3A_495 : vector<16xf32>
    %exp3A_499 = math.exp %neg3A_498 : vector<16xf32>
    %add3A_500 = arith.constant 1.000000e+00 : f32
    %add3A_501 = vector.broadcast %add3A_500 : f32 to vector<16xf32>
    %add3A_502 = arith.addf %add3A_501, %exp3A_499 : vector<16xf32>
    %div3A_503 = arith.constant 1.000000e+00 : f32
    %div3A_504 = vector.broadcast %div3A_503 : f32 to vector<16xf32>
    %div3A_505 = arith.divf %div3A_504, %add3A_502 : vector<16xf32>
    %swap3A_506 = arith.constant 144 : index
    %swap3A_507 = tpu.vector_load %arg9[%swap3A_506] {strides = array<i32>} : memref<512xf32, #tpu.memory_space<vmem>>, vector<16xf32>,
    %swap3A_508 = vector.shape_cast %swap3A_507 : vector<16xf32> to vector<16xf32>
    %swap3A_509 = vector.shape_cast %div3A_505 : vector<16xf32> to vector<16xf32>
    tpu.vector_store %arg9[%swap3A_506], %swap3A_509 {strides = array<i32>} : memref<512xf32, #tpu.memory_space<vmem>>, vector<16xf32>,
    %get3A_510 = arith.constant 160 : index
    %get3A_511 = tpu.vector_load %arg6[%get3A_510] {strides = array<i32>} : memref<512xi32, #tpu.memory_space<vmem>>, vector<16xi32>,
    %get3A_512 = vector.shape_cast %get3A_511 : vector<16xi32> to vector<16xi32>
    %get3A_513 = arith.constant 160 : index
    %get3A_514 = tpu.vector_load %arg7[%get3A_513] {strides = array<i32>} : memref<512xi32, #tpu.memory_space<vmem>>, vector<16xi32>,
    %get3A_515 = vector.shape_cast %get3A_514 : vector<16xi32> to vector<16xi32>
    %jit3A_516 = arith.constant 0 : i32
    %jit3A_517 = arith.constant 0 : i32
    %max3A_518 = vector.broadcast %jit3A_516 : i32 to vector<16xi32>
    %max3A_519 = arith.maxsi %max3A_518, %get3A_512 : vector<16xi32>
    %min3A_520 = vector.broadcast %jit3A_517 : i32 to vector<16xi32>
    %min3A_521 = arith.minsi %min3A_520, %max3A_519 : vector<16xi32>
    %jit3A_522 = arith.constant 0 : i32
    %jit3A_523 = arith.constant 0 : i32
    %max3A_524 = vector.broadcast %jit3A_522 : i32 to vector<16xi32>
    %max3A_525 = arith.maxsi %max3A_524, %get3A_515 : vector<16xi32>
    %min3A_526 = vector.broadcast %jit3A_523 : i32 to vector<16xi32>
    %min3A_527 = arith.minsi %min3A_526, %max3A_525 : vector<16xi32>
    %eq3A_528 = arith.constant 0 : i32
    %eq3A_529 = vector.broadcast %eq3A_528 : i32 to vector<16xi32>
    %eq3A_530 = arith.cmpi eq, %min3A_521, %eq3A_529 : vector<16xi32>
    %eq3A_531 = arith.constant 0 : i32
    %eq3A_532 = vector.broadcast %eq3A_531 : i32 to vector<16xi32>
    %eq3A_533 = arith.cmpi eq, %min3A_527, %eq3A_532 : vector<16xi32>
    %and3A_534 = arith.andi %eq3A_530, %eq3A_533 : vector<16xi1>
    %broadcast_in_dim3A_535 = vector.broadcast %add3A_89 : f32 to vector<16xf32>
    %broadcast_in_dim3A_536 = arith.constant 0.000000e+00 : f32
    %broadcast_in_dim3A_537 = vector.broadcast %broadcast_in_dim3A_536 : f32 to vector<16xf32>
    %select_n3A_538 = arith.select %and3A_534, %broadcast_in_dim3A_535, %broadcast_in_dim3A_537 : vector<16xi1>, vector<16xf32>
    %neg3A_539 = arith.constant 0.000000e+00 : f32
    %neg3A_540 = vector.broadcast %neg3A_539 : f32 to vector<16xf32>
    %neg3A_541 = arith.subf %neg3A_540, %select_n3A_538 : vector<16xf32>
    %exp3A_542 = math.exp %neg3A_541 : vector<16xf32>
    %add3A_543 = arith.constant 1.000000e+00 : f32
    %add3A_544 = vector.broadcast %add3A_543 : f32 to vector<16xf32>
    %add3A_545 = arith.addf %add3A_544, %exp3A_542 : vector<16xf32>
    %div3A_546 = arith.constant 1.000000e+00 : f32
    %div3A_547 = vector.broadcast %div3A_546 : f32 to vector<16xf32>
    %div3A_548 = arith.divf %div3A_547, %add3A_545 : vector<16xf32>
    %swap3A_549 = arith.constant 160 : index
    %swap3A_550 = tpu.vector_load %arg9[%swap3A_549] {strides = array<i32>} : memref<512xf32, #tpu.memory_space<vmem>>, vector<16xf32>,
    %swap3A_551 = vector.shape_cast %swap3A_550 : vector<16xf32> to vector<16xf32>
    %swap3A_552 = vector.shape_cast %div3A_548 : vector<16xf32> to vector<16xf32>
    tpu.vector_store %arg9[%swap3A_549], %swap3A_552 {strides = array<i32>} : memref<512xf32, #tpu.memory_space<vmem>>, vector<16xf32>,
    %get3A_553 = arith.constant 176 : index
    %get3A_554 = tpu.vector_load %arg6[%get3A_553] {strides = array<i32>} : memref<512xi32, #tpu.memory_space<vmem>>, vector<16xi32>,
    %get3A_555 = vector.shape_cast %get3A_554 : vector<16xi32> to vector<16xi32>
    %get3A_556 = arith.constant 176 : index
    %get3A_557 = tpu.vector_load %arg7[%get3A_556] {strides = array<i32>} : memref<512xi32, #tpu.memory_space<vmem>>, vector<16xi32>,
    %get3A_558 = vector.shape_cast %get3A_557 : vector<16xi32> to vector<16xi32>
    %jit3A_559 = arith.constant 0 : i32
    %jit3A_560 = arith.constant 0 : i32
    %max3A_561 = vector.broadcast %jit3A_559 : i32 to vector<16xi32>
    %max3A_562 = arith.maxsi %max3A_561, %get3A_555 : vector<16xi32>
    %min3A_563 = vector.broadcast %jit3A_560 : i32 to vector<16xi32>
    %min3A_564 = arith.minsi %min3A_563, %max3A_562 : vector<16xi32>
    %jit3A_565 = arith.constant 0 : i32
    %jit3A_566 = arith.constant 0 : i32
    %max3A_567 = vector.broadcast %jit3A_565 : i32 to vector<16xi32>
    %max3A_568 = arith.maxsi %max3A_567, %get3A_558 : vector<16xi32>
    %min3A_569 = vector.broadcast %jit3A_566 : i32 to vector<16xi32>
    %min3A_570 = arith.minsi %min3A_569, %max3A_568 : vector<16xi32>
    %eq3A_571 = arith.constant 0 : i32
    %eq3A_572 = vector.broadcast %eq3A_571 : i32 to vector<16xi32>
    %eq3A_573 = arith.cmpi eq, %min3A_564, %eq3A_572 : vector<16xi32>
    %eq3A_574 = arith.constant 0 : i32
    %eq3A_575 = vector.broadcast %eq3A_574 : i32 to vector<16xi32>
    %eq3A_576 = arith.cmpi eq, %min3A_570, %eq3A_575 : vector<16xi32>
    %and3A_577 = arith.andi %eq3A_573, %eq3A_576 : vector<16xi1>
    %broadcast_in_dim3A_578 = vector.broadcast %add3A_89 : f32 to vector<16xf32>
    %broadcast_in_dim3A_579 = arith.constant 0.000000e+00 : f32
    %broadcast_in_dim3A_580 = vector.broadcast %broadcast_in_dim3A_579 : f32 to vector<16xf32>
    %select_n3A_581 = arith.select %and3A_577, %broadcast_in_dim3A_578, %broadcast_in_dim3A_580 : vector<16xi1>, vector<16xf32>
    %neg3A_582 = arith.constant 0.000000e+00 : f32
    %neg3A_583 = vector.broadcast %neg3A_582 : f32 to vector<16xf32>
    %neg3A_584 = arith.subf %neg3A_583, %select_n3A_581 : vector<16xf32>
    %exp3A_585 = math.exp %neg3A_584 : vector<16xf32>
    %add3A_586 = arith.constant 1.000000e+00 : f32
    %add3A_587 = vector.broadcast %add3A_586 : f32 to vector<16xf32>
    %add3A_588 = arith.addf %add3A_587, %exp3A_585 : vector<16xf32>
    %div3A_589 = arith.constant 1.000000e+00 : f32
    %div3A_590 = vector.broadcast %div3A_589 : f32 to vector<16xf32>
    %div3A_591 = arith.divf %div3A_590, %add3A_588 : vector<16xf32>
    %swap3A_592 = arith.constant 176 : index
    %swap3A_593 = tpu.vector_load %arg9[%swap3A_592] {strides = array<i32>} : memref<512xf32, #tpu.memory_space<vmem>>, vector<16xf32>,
    %swap3A_594 = vector.shape_cast %swap3A_593 : vector<16xf32> to vector<16xf32>
    %swap3A_595 = vector.shape_cast %div3A_591 : vector<16xf32> to vector<16xf32>
    tpu.vector_store %arg9[%swap3A_592], %swap3A_595 {strides = array<i32>} : memref<512xf32, #tpu.memory_space<vmem>>, vector<16xf32>,
    %get3A_596 = arith.constant 192 : index
    %get3A_597 = tpu.vector_load %arg6[%get3A_596] {strides = array<i32>} : memref<512xi32, #tpu.memory_space<vmem>>, vector<16xi32>,
    %get3A_598 = vector.shape_cast %get3A_597 : vector<16xi32> to vector<16xi32>
    %get3A_599 = arith.constant 192 : index
    %get3A_600 = tpu.vector_load %arg7[%get3A_599] {strides = array<i32>} : memref<512xi32, #tpu.memory_space<vmem>>, vector<16xi32>,
    %get3A_601 = vector.shape_cast %get3A_600 : vector<16xi32> to vector<16xi32>
    %jit3A_602 = arith.constant 0 : i32
    %jit3A_603 = arith.constant 0 : i32
    %max3A_604 = vector.broadcast %jit3A_602 : i32 to vector<16xi32>
    %max3A_605 = arith.maxsi %max3A_604, %get3A_598 : vector<16xi32>
    %min3A_606 = vector.broadcast %jit3A_603 : i32 to vector<16xi32>
    %min3A_607 = arith.minsi %min3A_606, %max3A_605 : vector<16xi32>
    %jit3A_608 = arith.constant 0 : i32
    %jit3A_609 = arith.constant 0 : i32
    %max3A_610 = vector.broadcast %jit3A_608 : i32 to vector<16xi32>
    %max3A_611 = arith.maxsi %max3A_610, %get3A_601 : vector<16xi32>
    %min3A_612 = vector.broadcast %jit3A_609 : i32 to vector<16xi32>
    %min3A_613 = arith.minsi %min3A_612, %max3A_611 : vector<16xi32>
    %eq3A_614 = arith.constant 0 : i32
    %eq3A_615 = vector.broadcast %eq3A_614 : i32 to vector<16xi32>
    %eq3A_616 = arith.cmpi eq, %min3A_607, %eq3A_615 : vector<16xi32>
    %eq3A_617 = arith.constant 0 : i32
    %eq3A_618 = vector.broadcast %eq3A_617 : i32 to vector<16xi32>
    %eq3A_619 = arith.cmpi eq, %min3A_613, %eq3A_618 : vector<16xi32>
    %and3A_620 = arith.andi %eq3A_616, %eq3A_619 : vector<16xi1>
    %broadcast_in_dim3A_621 = vector.broadcast %add3A_89 : f32 to vector<16xf32>
    %broadcast_in_dim3A_622 = arith.constant 0.000000e+00 : f32
    %broadcast_in_dim3A_623 = vector.broadcast %broadcast_in_dim3A_622 : f32 to vector<16xf32>
    %select_n3A_624 = arith.select %and3A_620, %broadcast_in_dim3A_621, %broadcast_in_dim3A_623 : vector<16xi1>, vector<16xf32>
    %neg3A_625 = arith.constant 0.000000e+00 : f32
    %neg3A_626 = vector.broadcast %neg3A_625 : f32 to vector<16xf32>
    %neg3A_627 = arith.subf %neg3A_626, %select_n3A_624 : vector<16xf32>
    %exp3A_628 = math.exp %neg3A_627 : vector<16xf32>
    %add3A_629 = arith.constant 1.000000e+00 : f32
    %add3A_630 = vector.broadcast %add3A_629 : f32 to vector<16xf32>
    %add3A_631 = arith.addf %add3A_630, %exp3A_628 : vector<16xf32>
    %div3A_632 = arith.constant 1.000000e+00 : f32
    %div3A_633 = vector.broadcast %div3A_632 : f32 to vector<16xf32>
    %div3A_634 = arith.divf %div3A_633, %add3A_631 : vector<16xf32>
    %swap3A_635 = arith.constant 192 : index
    %swap3A_636 = tpu.vector_load %arg9[%swap3A_635] {strides = array<i32>} : memref<512xf32, #tpu.memory_space<vmem>>, vector<16xf32>,
    %swap3A_637 = vector.shape_cast %swap3A_636 : vector<16xf32> to vector<16xf32>
    %swap3A_638 = vector.shape_cast %div3A_634 : vector<16xf32> to vector<16xf32>
    tpu.vector_store %arg9[%swap3A_635], %swap3A_638 {strides = array<i32>} : memref<512xf32, #tpu.memory_space<vmem>>, vector<16xf32>,
    %get3A_639 = arith.constant 208 : index
    %get3A_640 = tpu.vector_load %arg6[%get3A_639] {strides = array<i32>} : memref<512xi32, #tpu.memory_space<vmem>>, vector<16xi32>,
    %get3A_641 = vector.shape_cast %get3A_640 : vector<16xi32> to vector<16xi32>
    %get3A_642 = arith.constant 208 : index
    %get3A_643 = tpu.vector_load %arg7[%get3A_642] {strides = array<i32>} : memref<512xi32, #tpu.memory_space<vmem>>, vector<16xi32>,
    %get3A_644 = vector.shape_cast %get3A_643 : vector<16xi32> to vector<16xi32>
    %jit3A_645 = arith.constant 0 : i32
    %jit3A_646 = arith.constant 0 : i32
    %max3A_647 = vector.broadcast %jit3A_645 : i32 to vector<16xi32>
    %max3A_648 = arith.maxsi %max3A_647, %get3A_641 : vector<16xi32>
    %min3A_649 = vector.broadcast %jit3A_646 : i32 to vector<16xi32>
    %min3A_650 = arith.minsi %min3A_649, %max3A_648 : vector<16xi32>
    %jit3A_651 = arith.constant 0 : i32
    %jit3A_652 = arith.constant 0 : i32
    %max3A_653 = vector.broadcast %jit3A_651 : i32 to vector<16xi32>
    %max3A_654 = arith.maxsi %max3A_653, %get3A_644 : vector<16xi32>
    %min3A_655 = vector.broadcast %jit3A_652 : i32 to vector<16xi32>
    %min3A_656 = arith.minsi %min3A_655, %max3A_654 : vector<16xi32>
    %eq3A_657 = arith.constant 0 : i32
    %eq3A_658 = vector.broadcast %eq3A_657 : i32 to vector<16xi32>
    %eq3A_659 = arith.cmpi eq, %min3A_650, %eq3A_658 : vector<16xi32>
    %eq3A_660 = arith.constant 0 : i32
    %eq3A_661 = vector.broadcast %eq3A_660 : i32 to vector<16xi32>
    %eq3A_662 = arith.cmpi eq, %min3A_656, %eq3A_661 : vector<16xi32>
    %and3A_663 = arith.andi %eq3A_659, %eq3A_662 : vector<16xi1>
    %broadcast_in_dim3A_664 = vector.broadcast %add3A_89 : f32 to vector<16xf32>
    %broadcast_in_dim3A_665 = arith.constant 0.000000e+00 : f32
    %broadcast_in_dim3A_666 = vector.broadcast %broadcast_in_dim3A_665 : f32 to vector<16xf32>
    %select_n3A_667 = arith.select %and3A_663, %broadcast_in_dim3A_664, %broadcast_in_dim3A_666 : vector<16xi1>, vector<16xf32>
    %neg3A_668 = arith.constant 0.000000e+00 : f32
    %neg3A_669 = vector.broadcast %neg3A_668 : f32 to vector<16xf32>
    %neg3A_670 = arith.subf %neg3A_669, %select_n3A_667 : vector<16xf32>
    %exp3A_671 = math.exp %neg3A_670 : vector<16xf32>
    %add3A_672 = arith.constant 1.000000e+00 : f32
    %add3A_673 = vector.broadcast %add3A_672 : f32 to vector<16xf32>
    %add3A_674 = arith.addf %add3A_673, %exp3A_671 : vector<16xf32>
    %div3A_675 = arith.constant 1.000000e+00 : f32
    %div3A_676 = vector.broadcast %div3A_675 : f32 to vector<16xf32>
    %div3A_677 = arith.divf %div3A_676, %add3A_674 : vector<16xf32>
    %swap3A_678 = arith.constant 208 : index
    %swap3A_679 = tpu.vector_load %arg9[%swap3A_678] {strides = array<i32>} : memref<512xf32, #tpu.memory_space<vmem>>, vector<16xf32>,
    %swap3A_680 = vector.shape_cast %swap3A_679 : vector<16xf32> to vector<16xf32>
    %swap3A_681 = vector.shape_cast %div3A_677 : vector<16xf32> to vector<16xf32>
    tpu.vector_store %arg9[%swap3A_678], %swap3A_681 {strides = array<i32>} : memref<512xf32, #tpu.memory_space<vmem>>, vector<16xf32>,
    %get3A_682 = arith.constant 224 : index
    %get3A_683 = tpu.vector_load %arg6[%get3A_682] {strides = array<i32>} : memref<512xi32, #tpu.memory_space<vmem>>, vector<16xi32>,
    %get3A_684 = vector.shape_cast %get3A_683 : vector<16xi32> to vector<16xi32>
    %get3A_685 = arith.constant 224 : index
    %get3A_686 = tpu.vector_load %arg7[%get3A_685] {strides = array<i32>} : memref<512xi32, #tpu.memory_space<vmem>>, vector<16xi32>,
    %get3A_687 = vector.shape_cast %get3A_686 : vector<16xi32> to vector<16xi32>
    %jit3A_688 = arith.constant 0 : i32
    %jit3A_689 = arith.constant 0 : i32
    %max3A_690 = vector.broadcast %jit3A_688 : i32 to vector<16xi32>
    %max3A_691 = arith.maxsi %max3A_690, %get3A_684 : vector<16xi32>
    %min3A_692 = vector.broadcast %jit3A_689 : i32 to vector<16xi32>
    %min3A_693 = arith.minsi %min3A_692, %max3A_691 : vector<16xi32>
    %jit3A_694 = arith.constant 0 : i32
    %jit3A_695 = arith.constant 0 : i32
    %max3A_696 = vector.broadcast %jit3A_694 : i32 to vector<16xi32>
    %max3A_697 = arith.maxsi %max3A_696, %get3A_687 : vector<16xi32>
    %min3A_698 = vector.broadcast %jit3A_695 : i32 to vector<16xi32>
    %min3A_699 = arith.minsi %min3A_698, %max3A_697 : vector<16xi32>
    %eq3A_700 = arith.constant 0 : i32
    %eq3A_701 = vector.broadcast %eq3A_700 : i32 to vector<16xi32>
    %eq3A_702 = arith.cmpi eq, %min3A_693, %eq3A_701 : vector<16xi32>
    %eq3A_703 = arith.constant 0 : i32
    %eq3A_704 = vector.broadcast %eq3A_703 : i32 to vector<16xi32>
    %eq3A_705 = arith.cmpi eq, %min3A_699, %eq3A_704 : vector<16xi32>
    %and3A_706 = arith.andi %eq3A_702, %eq3A_705 : vector<16xi1>
    %broadcast_in_dim3A_707 = vector.broadcast %add3A_89 : f32 to vector<16xf32>
    %broadcast_in_dim3A_708 = arith.constant 0.000000e+00 : f32
    %broadcast_in_dim3A_709 = vector.broadcast %broadcast_in_dim3A_708 : f32 to vector<16xf32>
    %select_n3A_710 = arith.select %and3A_706, %broadcast_in_dim3A_707, %broadcast_in_dim3A_709 : vector<16xi1>, vector<16xf32>
    %neg3A_711 = arith.constant 0.000000e+00 : f32
    %neg3A_712 = vector.broadcast %neg3A_711 : f32 to vector<16xf32>
    %neg3A_713 = arith.subf %neg3A_712, %select_n3A_710 : vector<16xf32>
    %exp3A_714 = math.exp %neg3A_713 : vector<16xf32>
    %add3A_715 = arith.constant 1.000000e+00 : f32
    %add3A_716 = vector.broadcast %add3A_715 : f32 to vector<16xf32>
    %add3A_717 = arith.addf %add3A_716, %exp3A_714 : vector<16xf32>
    %div3A_718 = arith.constant 1.000000e+00 : f32
    %div3A_719 = vector.broadcast %div3A_718 : f32 to vector<16xf32>
    %div3A_720 = arith.divf %div3A_719, %add3A_717 : vector<16xf32>
    %swap3A_721 = arith.constant 224 : index
    %swap3A_722 = tpu.vector_load %arg9[%swap3A_721] {strides = array<i32>} : memref<512xf32, #tpu.memory_space<vmem>>, vector<16xf32>,
    %swap3A_723 = vector.shape_cast %swap3A_722 : vector<16xf32> to vector<16xf32>
    %swap3A_724 = vector.shape_cast %div3A_720 : vector<16xf32> to vector<16xf32>
    tpu.vector_store %arg9[%swap3A_721], %swap3A_724 {strides = array<i32>} : memref<512xf32, #tpu.memory_space<vmem>>, vector<16xf32>,
    %get3A_725 = arith.constant 240 : index
    %get3A_726 = tpu.vector_load %arg6[%get3A_725] {strides = array<i32>} : memref<512xi32, #tpu.memory_space<vmem>>, vector<16xi32>,
    %get3A_727 = vector.shape_cast %get3A_726 : vector<16xi32> to vector<16xi32>
    %get3A_728 = arith.constant 240 : index
    %get3A_729 = tpu.vector_load %arg7[%get3A_728] {strides = array<i32>} : memref<512xi32, #tpu.memory_space<vmem>>, vector<16xi32>,
    %get3A_730 = vector.shape_cast %get3A_729 : vector<16xi32> to vector<16xi32>
    %jit3A_731 = arith.constant 0 : i32
    %jit3A_732 = arith.constant 0 : i32
    %max3A_733 = vector.broadcast %jit3A_731 : i32 to vector<16xi32>
    %max3A_734 = arith.maxsi %max3A_733, %get3A_727 : vector<16xi32>
    %min3A_735 = vector.broadcast %jit3A_732 : i32 to vector<16xi32>
    %min3A_736 = arith.minsi %min3A_735, %max3A_734 : vector<16xi32>
    %jit3A_737 = arith.constant 0 : i32
    %jit3A_738 = arith.constant 0 : i32
    %max3A_739 = vector.broadcast %jit3A_737 : i32 to vector<16xi32>
    %max3A_740 = arith.maxsi %max3A_739, %get3A_730 : vector<16xi32>
    %min3A_741 = vector.broadcast %jit3A_738 : i32 to vector<16xi32>
    %min3A_742 = arith.minsi %min3A_741, %max3A_740 : vector<16xi32>
    %eq3A_743 = arith.constant 0 : i32
    %eq3A_744 = vector.broadcast %eq3A_743 : i32 to vector<16xi32>
    %eq3A_745 = arith.cmpi eq, %min3A_736, %eq3A_744 : vector<16xi32>
    %eq3A_746 = arith.constant 0 : i32
    %eq3A_747 = vector.broadcast %eq3A_746 : i32 to vector<16xi32>
    %eq3A_748 = arith.cmpi eq, %min3A_742, %eq3A_747 : vector<16xi32>
    %and3A_749 = arith.andi %eq3A_745, %eq3A_748 : vector<16xi1>
    %broadcast_in_dim3A_750 = vector.broadcast %add3A_89 : f32 to vector<16xf32>
    %broadcast_in_dim3A_751 = arith.constant 0.000000e+00 : f32
    %broadcast_in_dim3A_752 = vector.broadcast %broadcast_in_dim3A_751 : f32 to vector<16xf32>
    %select_n3A_753 = arith.select %and3A_749, %broadcast_in_dim3A_750, %broadcast_in_dim3A_752 : vector<16xi1>, vector<16xf32>
    %neg3A_754 = arith.constant 0.000000e+00 : f32
    %neg3A_755 = vector.broadcast %neg3A_754 : f32 to vector<16xf32>
    %neg3A_756 = arith.subf %neg3A_755, %select_n3A_753 : vector<16xf32>
    %exp3A_757 = math.exp %neg3A_756 : vector<16xf32>
    %add3A_758 = arith.constant 1.000000e+00 : f32
    %add3A_759 = vector.broadcast %add3A_758 : f32 to vector<16xf32>
    %add3A_760 = arith.addf %add3A_759, %exp3A_757 : vector<16xf32>
    %div3A_761 = arith.constant 1.000000e+00 : f32
    %div3A_762 = vector.broadcast %div3A_761 : f32 to vector<16xf32>
    %div3A_763 = arith.divf %div3A_762, %add3A_760 : vector<16xf32>
    %swap3A_764 = arith.constant 240 : index
    %swap3A_765 = tpu.vector_load %arg9[%swap3A_764] {strides = array<i32>} : memref<512xf32, #tpu.memory_space<vmem>>, vector<16xf32>,
    %swap3A_766 = vector.shape_cast %swap3A_765 : vector<16xf32> to vector<16xf32>
    %swap3A_767 = vector.shape_cast %div3A_763 : vector<16xf32> to vector<16xf32>
    tpu.vector_store %arg9[%swap3A_764], %swap3A_767 {strides = array<i32>} : memref<512xf32, #tpu.memory_space<vmem>>, vector<16xf32>,
    %get3A_768 = arith.constant 256 : index
    %get3A_769 = tpu.vector_load %arg6[%get3A_768] {strides = array<i32>} : memref<512xi32, #tpu.memory_space<vmem>>, vector<16xi32>,
    %get3A_770 = vector.shape_cast %get3A_769 : vector<16xi32> to vector<16xi32>
    %get3A_771 = arith.constant 256 : index
    %get3A_772 = tpu.vector_load %arg7[%get3A_771] {strides = array<i32>} : memref<512xi32, #tpu.memory_space<vmem>>, vector<16xi32>,
    %get3A_773 = vector.shape_cast %get3A_772 : vector<16xi32> to vector<16xi32>
    %jit3A_774 = arith.constant 0 : i32
    %jit3A_775 = arith.constant 0 : i32
    %max3A_776 = vector.broadcast %jit3A_774 : i32 to vector<16xi32>
    %max3A_777 = arith.maxsi %max3A_776, %get3A_770 : vector<16xi32>
    %min3A_778 = vector.broadcast %jit3A_775 : i32 to vector<16xi32>
    %min3A_779 = arith.minsi %min3A_778, %max3A_777 : vector<16xi32>
    %jit3A_780 = arith.constant 0 : i32
    %jit3A_781 = arith.constant 0 : i32
    %max3A_782 = vector.broadcast %jit3A_780 : i32 to vector<16xi32>
    %max3A_783 = arith.maxsi %max3A_782, %get3A_773 : vector<16xi32>
    %min3A_784 = vector.broadcast %jit3A_781 : i32 to vector<16xi32>
    %min3A_785 = arith.minsi %min3A_784, %max3A_783 : vector<16xi32>
    %eq3A_786 = arith.constant 0 : i32
    %eq3A_787 = vector.broadcast %eq3A_786 : i32 to vector<16xi32>
    %eq3A_788 = arith.cmpi eq, %min3A_779, %eq3A_787 : vector<16xi32>
    %eq3A_789 = arith.constant 0 : i32
    %eq3A_790 = vector.broadcast %eq3A_789 : i32 to vector<16xi32>
    %eq3A_791 = arith.cmpi eq, %min3A_785, %eq3A_790 : vector<16xi32>
    %and3A_792 = arith.andi %eq3A_788, %eq3A_791 : vector<16xi1>
    %broadcast_in_dim3A_793 = vector.broadcast %add3A_89 : f32 to vector<16xf32>
    %broadcast_in_dim3A_794 = arith.constant 0.000000e+00 : f32
    %broadcast_in_dim3A_795 = vector.broadcast %broadcast_in_dim3A_794 : f32 to vector<16xf32>
    %select_n3A_796 = arith.select %and3A_792, %broadcast_in_dim3A_793, %broadcast_in_dim3A_795 : vector<16xi1>, vector<16xf32>
    %neg3A_797 = arith.constant 0.000000e+00 : f32
    %neg3A_798 = vector.broadcast %neg3A_797 : f32 to vector<16xf32>
    %neg3A_799 = arith.subf %neg3A_798, %select_n3A_796 : vector<16xf32>
    %exp3A_800 = math.exp %neg3A_799 : vector<16xf32>
    %add3A_801 = arith.constant 1.000000e+00 : f32
    %add3A_802 = vector.broadcast %add3A_801 : f32 to vector<16xf32>
    %add3A_803 = arith.addf %add3A_802, %exp3A_800 : vector<16xf32>
    %div3A_804 = arith.constant 1.000000e+00 : f32
    %div3A_805 = vector.broadcast %div3A_804 : f32 to vector<16xf32>
    %div3A_806 = arith.divf %div3A_805, %add3A_803 : vector<16xf32>
    %swap3A_807 = arith.constant 256 : index
    %swap3A_808 = tpu.vector_load %arg9[%swap3A_807] {strides = array<i32>} : memref<512xf32, #tpu.memory_space<vmem>>, vector<16xf32>,
    %swap3A_809 = vector.shape_cast %swap3A_808 : vector<16xf32> to vector<16xf32>
    %swap3A_810 = vector.shape_cast %div3A_806 : vector<16xf32> to vector<16xf32>
    tpu.vector_store %arg9[%swap3A_807], %swap3A_810 {strides = array<i32>} : memref<512xf32, #tpu.memory_space<vmem>>, vector<16xf32>,
    %get3A_811 = arith.constant 272 : index
    %get3A_812 = tpu.vector_load %arg6[%get3A_811] {strides = array<i32>} : memref<512xi32, #tpu.memory_space<vmem>>, vector<16xi32>,
    %get3A_813 = vector.shape_cast %get3A_812 : vector<16xi32> to vector<16xi32>
    %get3A_814 = arith.constant 272 : index
    %get3A_815 = tpu.vector_load %arg7[%get3A_814] {strides = array<i32>} : memref<512xi32, #tpu.memory_space<vmem>>, vector<16xi32>,
    %get3A_816 = vector.shape_cast %get3A_815 : vector<16xi32> to vector<16xi32>
    %jit3A_817 = arith.constant 0 : i32
    %jit3A_818 = arith.constant 0 : i32
    %max3A_819 = vector.broadcast %jit3A_817 : i32 to vector<16xi32>
    %max3A_820 = arith.maxsi %max3A_819, %get3A_813 : vector<16xi32>
    %min3A_821 = vector.broadcast %jit3A_818 : i32 to vector<16xi32>
    %min3A_822 = arith.minsi %min3A_821, %max3A_820 : vector<16xi32>
    %jit3A_823 = arith.constant 0 : i32
    %jit3A_824 = arith.constant 0 : i32
    %max3A_825 = vector.broadcast %jit3A_823 : i32 to vector<16xi32>
    %max3A_826 = arith.maxsi %max3A_825, %get3A_816 : vector<16xi32>
    %min3A_827 = vector.broadcast %jit3A_824 : i32 to vector<16xi32>
    %min3A_828 = arith.minsi %min3A_827, %max3A_826 : vector<16xi32>
    %eq3A_829 = arith.constant 0 : i32
    %eq3A_830 = vector.broadcast %eq3A_829 : i32 to vector<16xi32>
    %eq3A_831 = arith.cmpi eq, %min3A_822, %eq3A_830 : vector<16xi32>
    %eq3A_832 = arith.constant 0 : i32
    %eq3A_833 = vector.broadcast %eq3A_832 : i32 to vector<16xi32>
    %eq3A_834 = arith.cmpi eq, %min3A_828, %eq3A_833 : vector<16xi32>
    %and3A_835 = arith.andi %eq3A_831, %eq3A_834 : vector<16xi1>
    %broadcast_in_dim3A_836 = vector.broadcast %add3A_89 : f32 to vector<16xf32>
    %broadcast_in_dim3A_837 = arith.constant 0.000000e+00 : f32
    %broadcast_in_dim3A_838 = vector.broadcast %broadcast_in_dim3A_837 : f32 to vector<16xf32>
    %select_n3A_839 = arith.select %and3A_835, %broadcast_in_dim3A_836, %broadcast_in_dim3A_838 : vector<16xi1>, vector<16xf32>
    %neg3A_840 = arith.constant 0.000000e+00 : f32
    %neg3A_841 = vector.broadcast %neg3A_840 : f32 to vector<16xf32>
    %neg3A_842 = arith.subf %neg3A_841, %select_n3A_839 : vector<16xf32>
    %exp3A_843 = math.exp %neg3A_842 : vector<16xf32>
    %add3A_844 = arith.constant 1.000000e+00 : f32
    %add3A_845 = vector.broadcast %add3A_844 : f32 to vector<16xf32>
    %add3A_846 = arith.addf %add3A_845, %exp3A_843 : vector<16xf32>
    %div3A_847 = arith.constant 1.000000e+00 : f32
    %div3A_848 = vector.broadcast %div3A_847 : f32 to vector<16xf32>
    %div3A_849 = arith.divf %div3A_848, %add3A_846 : vector<16xf32>
    %swap3A_850 = arith.constant 272 : index
    %swap3A_851 = tpu.vector_load %arg9[%swap3A_850] {strides = array<i32>} : memref<512xf32, #tpu.memory_space<vmem>>, vector<16xf32>,
    %swap3A_852 = vector.shape_cast %swap3A_851 : vector<16xf32> to vector<16xf32>
    %swap3A_853 = vector.shape_cast %div3A_849 : vector<16xf32> to vector<16xf32>
    tpu.vector_store %arg9[%swap3A_850], %swap3A_853 {strides = array<i32>} : memref<512xf32, #tpu.memory_space<vmem>>, vector<16xf32>,
    %get3A_854 = arith.constant 288 : index
    %get3A_855 = tpu.vector_load %arg6[%get3A_854] {strides = array<i32>} : memref<512xi32, #tpu.memory_space<vmem>>, vector<16xi32>,
    %get3A_856 = vector.shape_cast %get3A_855 : vector<16xi32> to vector<16xi32>
    %get3A_857 = arith.constant 288 : index
    %get3A_858 = tpu.vector_load %arg7[%get3A_857] {strides = array<i32>} : memref<512xi32, #tpu.memory_space<vmem>>, vector<16xi32>,
    %get3A_859 = vector.shape_cast %get3A_858 : vector<16xi32> to vector<16xi32>
    %jit3A_860 = arith.constant 0 : i32
    %jit3A_861 = arith.constant 0 : i32
    %max3A_862 = vector.broadcast %jit3A_860 : i32 to vector<16xi32>
    %max3A_863 = arith.maxsi %max3A_862, %get3A_856 : vector<16xi32>
    %min3A_864 = vector.broadcast %jit3A_861 : i32 to vector<16xi32>
    %min3A_865 = arith.minsi %min3A_864, %max3A_863 : vector<16xi32>
    %jit3A_866 = arith.constant 0 : i32
    %jit3A_867 = arith.constant 0 : i32
    %max3A_868 = vector.broadcast %jit3A_866 : i32 to vector<16xi32>
    %max3A_869 = arith.maxsi %max3A_868, %get3A_859 : vector<16xi32>
    %min3A_870 = vector.broadcast %jit3A_867 : i32 to vector<16xi32>
    %min3A_871 = arith.minsi %min3A_870, %max3A_869 : vector<16xi32>
    %eq3A_872 = arith.constant 0 : i32
    %eq3A_873 = vector.broadcast %eq3A_872 : i32 to vector<16xi32>
    %eq3A_874 = arith.cmpi eq, %min3A_865, %eq3A_873 : vector<16xi32>
    %eq3A_875 = arith.constant 0 : i32
    %eq3A_876 = vector.broadcast %eq3A_875 : i32 to vector<16xi32>
    %eq3A_877 = arith.cmpi eq, %min3A_871, %eq3A_876 : vector<16xi32>
    %and3A_878 = arith.andi %eq3A_874, %eq3A_877 : vector<16xi1>
    %broadcast_in_dim3A_879 = vector.broadcast %add3A_89 : f32 to vector<16xf32>
    %broadcast_in_dim3A_880 = arith.constant 0.000000e+00 : f32
    %broadcast_in_dim3A_881 = vector.broadcast %broadcast_in_dim3A_880 : f32 to vector<16xf32>
    %select_n3A_882 = arith.select %and3A_878, %broadcast_in_dim3A_879, %broadcast_in_dim3A_881 : vector<16xi1>, vector<16xf32>
    %neg3A_883 = arith.constant 0.000000e+00 : f32
    %neg3A_884 = vector.broadcast %neg3A_883 : f32 to vector<16xf32>
    %neg3A_885 = arith.subf %neg3A_884, %select_n3A_882 : vector<16xf32>
    %exp3A_886 = math.exp %neg3A_885 : vector<16xf32>
    %add3A_887 = arith.constant 1.000000e+00 : f32
    %add3A_888 = vector.broadcast %add3A_887 : f32 to vector<16xf32>
    %add3A_889 = arith.addf %add3A_888, %exp3A_886 : vector<16xf32>
    %div3A_890 = arith.constant 1.000000e+00 : f32
    %div3A_891 = vector.broadcast %div3A_890 : f32 to vector<16xf32>
    %div3A_892 = arith.divf %div3A_891, %add3A_889 : vector<16xf32>
    %swap3A_893 = arith.constant 288 : index
    %swap3A_894 = tpu.vector_load %arg9[%swap3A_893] {strides = array<i32>} : memref<512xf32, #tpu.memory_space<vmem>>, vector<16xf32>,
    %swap3A_895 = vector.shape_cast %swap3A_894 : vector<16xf32> to vector<16xf32>
    %swap3A_896 = vector.shape_cast %div3A_892 : vector<16xf32> to vector<16xf32>
    tpu.vector_store %arg9[%swap3A_893], %swap3A_896 {strides = array<i32>} : memref<512xf32, #tpu.memory_space<vmem>>, vector<16xf32>,
    %get3A_897 = arith.constant 304 : index
    %get3A_898 = tpu.vector_load %arg6[%get3A_897] {strides = array<i32>} : memref<512xi32, #tpu.memory_space<vmem>>, vector<16xi32>,
    %get3A_899 = vector.shape_cast %get3A_898 : vector<16xi32> to vector<16xi32>
    %get3A_900 = arith.constant 304 : index
    %get3A_901 = tpu.vector_load %arg7[%get3A_900] {strides = array<i32>} : memref<512xi32, #tpu.memory_space<vmem>>, vector<16xi32>,
    %get3A_902 = vector.shape_cast %get3A_901 : vector<16xi32> to vector<16xi32>
    %jit3A_903 = arith.constant 0 : i32
    %jit3A_904 = arith.constant 0 : i32
    %max3A_905 = vector.broadcast %jit3A_903 : i32 to vector<16xi32>
    %max3A_906 = arith.maxsi %max3A_905, %get3A_899 : vector<16xi32>
    %min3A_907 = vector.broadcast %jit3A_904 : i32 to vector<16xi32>
    %min3A_908 = arith.minsi %min3A_907, %max3A_906 : vector<16xi32>
    %jit3A_909 = arith.constant 0 : i32
    %jit3A_910 = arith.constant 0 : i32
    %max3A_911 = vector.broadcast %jit3A_909 : i32 to vector<16xi32>
    %max3A_912 = arith.maxsi %max3A_911, %get3A_902 : vector<16xi32>
    %min3A_913 = vector.broadcast %jit3A_910 : i32 to vector<16xi32>
    %min3A_914 = arith.minsi %min3A_913, %max3A_912 : vector<16xi32>
    %eq3A_915 = arith.constant 0 : i32
    %eq3A_916 = vector.broadcast %eq3A_915 : i32 to vector<16xi32>
    %eq3A_917 = arith.cmpi eq, %min3A_908, %eq3A_916 : vector<16xi32>
    %eq3A_918 = arith.constant 0 : i32
    %eq3A_919 = vector.broadcast %eq3A_918 : i32 to vector<16xi32>
    %eq3A_920 = arith.cmpi eq, %min3A_914, %eq3A_919 : vector<16xi32>
    %and3A_921 = arith.andi %eq3A_917, %eq3A_920 : vector<16xi1>
    %broadcast_in_dim3A_922 = vector.broadcast %add3A_89 : f32 to vector<16xf32>
    %broadcast_in_dim3A_923 = arith.constant 0.000000e+00 : f32
    %broadcast_in_dim3A_924 = vector.broadcast %broadcast_in_dim3A_923 : f32 to vector<16xf32>
    %select_n3A_925 = arith.select %and3A_921, %broadcast_in_dim3A_922, %broadcast_in_dim3A_924 : vector<16xi1>, vector<16xf32>
    %neg3A_926 = arith.constant 0.000000e+00 : f32
    %neg3A_927 = vector.broadcast %neg3A_926 : f32 to vector<16xf32>
    %neg3A_928 = arith.subf %neg3A_927, %select_n3A_925 : vector<16xf32>
    %exp3A_929 = math.exp %neg3A_928 : vector<16xf32>
    %add3A_930 = arith.constant 1.000000e+00 : f32
    %add3A_931 = vector.broadcast %add3A_930 : f32 to vector<16xf32>
    %add3A_932 = arith.addf %add3A_931, %exp3A_929 : vector<16xf32>
    %div3A_933 = arith.constant 1.000000e+00 : f32
    %div3A_934 = vector.broadcast %div3A_933 : f32 to vector<16xf32>
    %div3A_935 = arith.divf %div3A_934, %add3A_932 : vector<16xf32>
    %swap3A_936 = arith.constant 304 : index
    %swap3A_937 = tpu.vector_load %arg9[%swap3A_936] {strides = array<i32>} : memref<512xf32, #tpu.memory_space<vmem>>, vector<16xf32>,
    %swap3A_938 = vector.shape_cast %swap3A_937 : vector<16xf32> to vector<16xf32>
    %swap3A_939 = vector.shape_cast %div3A_935 : vector<16xf32> to vector<16xf32>
    tpu.vector_store %arg9[%swap3A_936], %swap3A_939 {strides = array<i32>} : memref<512xf32, #tpu.memory_space<vmem>>, vector<16xf32>,
    %get3A_940 = arith.constant 320 : index
    %get3A_941 = tpu.vector_load %arg6[%get3A_940] {strides = array<i32>} : memref<512xi32, #tpu.memory_space<vmem>>, vector<16xi32>,
    %get3A_942 = vector.shape_cast %get3A_941 : vector<16xi32> to vector<16xi32>
    %get3A_943 = arith.constant 320 : index
    %get3A_944 = tpu.vector_load %arg7[%get3A_943] {strides = array<i32>} : memref<512xi32, #tpu.memory_space<vmem>>, vector<16xi32>,
    %get3A_945 = vector.shape_cast %get3A_944 : vector<16xi32> to vector<16xi32>
    %jit3A_946 = arith.constant 0 : i32
    %jit3A_947 = arith.constant 0 : i32
    %max3A_948 = vector.broadcast %jit3A_946 : i32 to vector<16xi32>
    %max3A_949 = arith.maxsi %max3A_948, %get3A_942 : vector<16xi32>
    %min3A_950 = vector.broadcast %jit3A_947 : i32 to vector<16xi32>
    %min3A_951 = arith.minsi %min3A_950, %max3A_949 : vector<16xi32>
    %jit3A_952 = arith.constant 0 : i32
    %jit3A_953 = arith.constant 0 : i32
    %max3A_954 = vector.broadcast %jit3A_952 : i32 to vector<16xi32>
    %max3A_955 = arith.maxsi %max3A_954, %get3A_945 : vector<16xi32>
    %min3A_956 = vector.broadcast %jit3A_953 : i32 to vector<16xi32>
    %min3A_957 = arith.minsi %min3A_956, %max3A_955 : vector<16xi32>
    %eq3A_958 = arith.constant 0 : i32
    %eq3A_959 = vector.broadcast %eq3A_958 : i32 to vector<16xi32>
    %eq3A_960 = arith.cmpi eq, %min3A_951, %eq3A_959 : vector<16xi32>
    %eq3A_961 = arith.constant 0 : i32
    %eq3A_962 = vector.broadcast %eq3A_961 : i32 to vector<16xi32>
    %eq3A_963 = arith.cmpi eq, %min3A_957, %eq3A_962 : vector<16xi32>
    %and3A_964 = arith.andi %eq3A_960, %eq3A_963 : vector<16xi1>
    %broadcast_in_dim3A_965 = vector.broadcast %add3A_89 : f32 to vector<16xf32>
    %broadcast_in_dim3A_966 = arith.constant 0.000000e+00 : f32
    %broadcast_in_dim3A_967 = vector.broadcast %broadcast_in_dim3A_966 : f32 to vector<16xf32>
    %select_n3A_968 = arith.select %and3A_964, %broadcast_in_dim3A_965, %broadcast_in_dim3A_967 : vector<16xi1>, vector<16xf32>
    %neg3A_969 = arith.constant 0.000000e+00 : f32
    %neg3A_970 = vector.broadcast %neg3A_969 : f32 to vector<16xf32>
    %neg3A_971 = arith.subf %neg3A_970, %select_n3A_968 : vector<16xf32>
    %exp3A_972 = math.exp %neg3A_971 : vector<16xf32>
    %add3A_973 = arith.constant 1.000000e+00 : f32
    %add3A_974 = vector.broadcast %add3A_973 : f32 to vector<16xf32>
    %add3A_975 = arith.addf %add3A_974, %exp3A_972 : vector<16xf32>
    %div3A_976 = arith.constant 1.000000e+00 : f32
    %div3A_977 = vector.broadcast %div3A_976 : f32 to vector<16xf32>
    %div3A_978 = arith.divf %div3A_977, %add3A_975 : vector<16xf32>
    %swap3A_979 = arith.constant 320 : index
    %swap3A_980 = tpu.vector_load %arg9[%swap3A_979] {strides = array<i32>} : memref<512xf32, #tpu.memory_space<vmem>>, vector<16xf32>,
    %swap3A_981 = vector.shape_cast %swap3A_980 : vector<16xf32> to vector<16xf32>
    %swap3A_982 = vector.shape_cast %div3A_978 : vector<16xf32> to vector<16xf32>
    tpu.vector_store %arg9[%swap3A_979], %swap3A_982 {strides = array<i32>} : memref<512xf32, #tpu.memory_space<vmem>>, vector<16xf32>,
    %get3A_983 = arith.constant 336 : index
    %get3A_984 = tpu.vector_load %arg6[%get3A_983] {strides = array<i32>} : memref<512xi32, #tpu.memory_space<vmem>>, vector<16xi32>,
    %get3A_985 = vector.shape_cast %get3A_984 : vector<16xi32> to vector<16xi32>
    %get3A_986 = arith.constant 336 : index
    %get3A_987 = tpu.vector_load %arg7[%get3A_986] {strides = array<i32>} : memref<512xi32, #tpu.memory_space<vmem>>, vector<16xi32>,
    %get3A_988 = vector.shape_cast %get3A_987 : vector<16xi32> to vector<16xi32>
    %jit3A_989 = arith.constant 0 : i32
    %jit3A_990 = arith.constant 0 : i32
    %max3A_991 = vector.broadcast %jit3A_989 : i32 to vector<16xi32>
    %max3A_992 = arith.maxsi %max3A_991, %get3A_985 : vector<16xi32>
    %min3A_993 = vector.broadcast %jit3A_990 : i32 to vector<16xi32>
    %min3A_994 = arith.minsi %min3A_993, %max3A_992 : vector<16xi32>
    %jit3A_995 = arith.constant 0 : i32
    %jit3A_996 = arith.constant 0 : i32
    %max3A_997 = vector.broadcast %jit3A_995 : i32 to vector<16xi32>
    %max3A_998 = arith.maxsi %max3A_997, %get3A_988 : vector<16xi32>
    %min3A_999 = vector.broadcast %jit3A_996 : i32 to vector<16xi32>
    %min3A_1000 = arith.minsi %min3A_999, %max3A_998 : vector<16xi32>
    %eq3A_1001 = arith.constant 0 : i32
    %eq3A_1002 = vector.broadcast %eq3A_1001 : i32 to vector<16xi32>
    %eq3A_1003 = arith.cmpi eq, %min3A_994, %eq3A_1002 : vector<16xi32>
    %eq3A_1004 = arith.constant 0 : i32
    %eq3A_1005 = vector.broadcast %eq3A_1004 : i32 to vector<16xi32>
    %eq3A_1006 = arith.cmpi eq, %min3A_1000, %eq3A_1005 : vector<16xi32>
    %and3A_1007 = arith.andi %eq3A_1003, %eq3A_1006 : vector<16xi1>
    %broadcast_in_dim3A_1008 = vector.broadcast %add3A_89 : f32 to vector<16xf32>
    %broadcast_in_dim3A_1009 = arith.constant 0.000000e+00 : f32
    %broadcast_in_dim3A_1010 = vector.broadcast %broadcast_in_dim3A_1009 : f32 to vector<16xf32>
    %select_n3A_1011 = arith.select %and3A_1007, %broadcast_in_dim3A_1008, %broadcast_in_dim3A_1010 : vector<16xi1>, vector<16xf32>
    %neg3A_1012 = arith.constant 0.000000e+00 : f32
    %neg3A_1013 = vector.broadcast %neg3A_1012 : f32 to vector<16xf32>
    %neg3A_1014 = arith.subf %neg3A_1013, %select_n3A_1011 : vector<16xf32>
    %exp3A_1015 = math.exp %neg3A_1014 : vector<16xf32>
    %add3A_1016 = arith.constant 1.000000e+00 : f32
    %add3A_1017 = vector.broadcast %add3A_1016 : f32 to vector<16xf32>
    %add3A_1018 = arith.addf %add3A_1017, %exp3A_1015 : vector<16xf32>
    %div3A_1019 = arith.constant 1.000000e+00 : f32
    %div3A_1020 = vector.broadcast %div3A_1019 : f32 to vector<16xf32>
    %div3A_1021 = arith.divf %div3A_1020, %add3A_1018 : vector<16xf32>
    %swap3A_1022 = arith.constant 336 : index
    %swap3A_1023 = tpu.vector_load %arg9[%swap3A_1022] {strides = array<i32>} : memref<512xf32, #tpu.memory_space<vmem>>, vector<16xf32>,
    %swap3A_1024 = vector.shape_cast %swap3A_1023 : vector<16xf32> to vector<16xf32>
    %swap3A_1025 = vector.shape_cast %div3A_1021 : vector<16xf32> to vector<16xf32>
    tpu.vector_store %arg9[%swap3A_1022], %swap3A_1025 {strides = array<i32>} : memref<512xf32, #tpu.memory_space<vmem>>, vector<16xf32>,
    %get3A_1026 = arith.constant 352 : index
    %get3A_1027 = tpu.vector_load %arg6[%get3A_1026] {strides = array<i32>} : memref<512xi32, #tpu.memory_space<vmem>>, vector<16xi32>,
    %get3A_1028 = vector.shape_cast %get3A_1027 : vector<16xi32> to vector<16xi32>
    %get3A_1029 = arith.constant 352 : index
    %get3A_1030 = tpu.vector_load %arg7[%get3A_1029] {strides = array<i32>} : memref<512xi32, #tpu.memory_space<vmem>>, vector<16xi32>,
    %get3A_1031 = vector.shape_cast %get3A_1030 : vector<16xi32> to vector<16xi32>
    %jit3A_1032 = arith.constant 0 : i32
    %jit3A_1033 = arith.constant 0 : i32
    %max3A_1034 = vector.broadcast %jit3A_1032 : i32 to vector<16xi32>
    %max3A_1035 = arith.maxsi %max3A_1034, %get3A_1028 : vector<16xi32>
    %min3A_1036 = vector.broadcast %jit3A_1033 : i32 to vector<16xi32>
    %min3A_1037 = arith.minsi %min3A_1036, %max3A_1035 : vector<16xi32>
    %jit3A_1038 = arith.constant 0 : i32
    %jit3A_1039 = arith.constant 0 : i32
    %max3A_1040 = vector.broadcast %jit3A_1038 : i32 to vector<16xi32>
    %max3A_1041 = arith.maxsi %max3A_1040, %get3A_1031 : vector<16xi32>
    %min3A_1042 = vector.broadcast %jit3A_1039 : i32 to vector<16xi32>
    %min3A_1043 = arith.minsi %min3A_1042, %max3A_1041 : vector<16xi32>
    %eq3A_1044 = arith.constant 0 : i32
    %eq3A_1045 = vector.broadcast %eq3A_1044 : i32 to vector<16xi32>
    %eq3A_1046 = arith.cmpi eq, %min3A_1037, %eq3A_1045 : vector<16xi32>
    %eq3A_1047 = arith.constant 0 : i32
    %eq3A_1048 = vector.broadcast %eq3A_1047 : i32 to vector<16xi32>
    %eq3A_1049 = arith.cmpi eq, %min3A_1043, %eq3A_1048 : vector<16xi32>
    %and3A_1050 = arith.andi %eq3A_1046, %eq3A_1049 : vector<16xi1>
    %broadcast_in_dim3A_1051 = vector.broadcast %add3A_89 : f32 to vector<16xf32>
    %broadcast_in_dim3A_1052 = arith.constant 0.000000e+00 : f32
    %broadcast_in_dim3A_1053 = vector.broadcast %broadcast_in_dim3A_1052 : f32 to vector<16xf32>
    %select_n3A_1054 = arith.select %and3A_1050, %broadcast_in_dim3A_1051, %broadcast_in_dim3A_1053 : vector<16xi1>, vector<16xf32>
    %neg3A_1055 = arith.constant 0.000000e+00 : f32
    %neg3A_1056 = vector.broadcast %neg3A_1055 : f32 to vector<16xf32>
    %neg3A_1057 = arith.subf %neg3A_1056, %select_n3A_1054 : vector<16xf32>
    %exp3A_1058 = math.exp %neg3A_1057 : vector<16xf32>
    %add3A_1059 = arith.constant 1.000000e+00 : f32
    %add3A_1060 = vector.broadcast %add3A_1059 : f32 to vector<16xf32>
    %add3A_1061 = arith.addf %add3A_1060, %exp3A_1058 : vector<16xf32>
    %div3A_1062 = arith.constant 1.000000e+00 : f32
    %div3A_1063 = vector.broadcast %div3A_1062 : f32 to vector<16xf32>
    %div3A_1064 = arith.divf %div3A_1063, %add3A_1061 : vector<16xf32>
    %swap3A_1065 = arith.constant 352 : index
    %swap3A_1066 = tpu.vector_load %arg9[%swap3A_1065] {strides = array<i32>} : memref<512xf32, #tpu.memory_space<vmem>>, vector<16xf32>,
    %swap3A_1067 = vector.shape_cast %swap3A_1066 : vector<16xf32> to vector<16xf32>
    %swap3A_1068 = vector.shape_cast %div3A_1064 : vector<16xf32> to vector<16xf32>
    tpu.vector_store %arg9[%swap3A_1065], %swap3A_1068 {strides = array<i32>} : memref<512xf32, #tpu.memory_space<vmem>>, vector<16xf32>,
    %get3A_1069 = arith.constant 368 : index
    %get3A_1070 = tpu.vector_load %arg6[%get3A_1069] {strides = array<i32>} : memref<512xi32, #tpu.memory_space<vmem>>, vector<16xi32>,
    %get3A_1071 = vector.shape_cast %get3A_1070 : vector<16xi32> to vector<16xi32>
    %get3A_1072 = arith.constant 368 : index
    %get3A_1073 = tpu.vector_load %arg7[%get3A_1072] {strides = array<i32>} : memref<512xi32, #tpu.memory_space<vmem>>, vector<16xi32>,
    %get3A_1074 = vector.shape_cast %get3A_1073 : vector<16xi32> to vector<16xi32>
    %jit3A_1075 = arith.constant 0 : i32
    %jit3A_1076 = arith.constant 0 : i32
    %max3A_1077 = vector.broadcast %jit3A_1075 : i32 to vector<16xi32>
    %max3A_1078 = arith.maxsi %max3A_1077, %get3A_1071 : vector<16xi32>
    %min3A_1079 = vector.broadcast %jit3A_1076 : i32 to vector<16xi32>
    %min3A_1080 = arith.minsi %min3A_1079, %max3A_1078 : vector<16xi32>
    %jit3A_1081 = arith.constant 0 : i32
    %jit3A_1082 = arith.constant 0 : i32
    %max3A_1083 = vector.broadcast %jit3A_1081 : i32 to vector<16xi32>
    %max3A_1084 = arith.maxsi %max3A_1083, %get3A_1074 : vector<16xi32>
    %min3A_1085 = vector.broadcast %jit3A_1082 : i32 to vector<16xi32>
    %min3A_1086 = arith.minsi %min3A_1085, %max3A_1084 : vector<16xi32>
    %eq3A_1087 = arith.constant 0 : i32
    %eq3A_1088 = vector.broadcast %eq3A_1087 : i32 to vector<16xi32>
    %eq3A_1089 = arith.cmpi eq, %min3A_1080, %eq3A_1088 : vector<16xi32>
    %eq3A_1090 = arith.constant 0 : i32
    %eq3A_1091 = vector.broadcast %eq3A_1090 : i32 to vector<16xi32>
    %eq3A_1092 = arith.cmpi eq, %min3A_1086, %eq3A_1091 : vector<16xi32>
    %and3A_1093 = arith.andi %eq3A_1089, %eq3A_1092 : vector<16xi1>
    %broadcast_in_dim3A_1094 = vector.broadcast %add3A_89 : f32 to vector<16xf32>
    %broadcast_in_dim3A_1095 = arith.constant 0.000000e+00 : f32
    %broadcast_in_dim3A_1096 = vector.broadcast %broadcast_in_dim3A_1095 : f32 to vector<16xf32>
    %select_n3A_1097 = arith.select %and3A_1093, %broadcast_in_dim3A_1094, %broadcast_in_dim3A_1096 : vector<16xi1>, vector<16xf32>
    %neg3A_1098 = arith.constant 0.000000e+00 : f32
    %neg3A_1099 = vector.broadcast %neg3A_1098 : f32 to vector<16xf32>
    %neg3A_1100 = arith.subf %neg3A_1099, %select_n3A_1097 : vector<16xf32>
    %exp3A_1101 = math.exp %neg3A_1100 : vector<16xf32>
    %add3A_1102 = arith.constant 1.000000e+00 : f32
    %add3A_1103 = vector.broadcast %add3A_1102 : f32 to vector<16xf32>
    %add3A_1104 = arith.addf %add3A_1103, %exp3A_1101 : vector<16xf32>
    %div3A_1105 = arith.constant 1.000000e+00 : f32
    %div3A_1106 = vector.broadcast %div3A_1105 : f32 to vector<16xf32>
    %div3A_1107 = arith.divf %div3A_1106, %add3A_1104 : vector<16xf32>
    %swap3A_1108 = arith.constant 368 : index
    %swap3A_1109 = tpu.vector_load %arg9[%swap3A_1108] {strides = array<i32>} : memref<512xf32, #tpu.memory_space<vmem>>, vector<16xf32>,
    %swap3A_1110 = vector.shape_cast %swap3A_1109 : vector<16xf32> to vector<16xf32>
    %swap3A_1111 = vector.shape_cast %div3A_1107 : vector<16xf32> to vector<16xf32>
    tpu.vector_store %arg9[%swap3A_1108], %swap3A_1111 {strides = array<i32>} : memref<512xf32, #tpu.memory_space<vmem>>, vector<16xf32>,
    %get3A_1112 = arith.constant 384 : index
    %get3A_1113 = tpu.vector_load %arg6[%get3A_1112] {strides = array<i32>} : memref<512xi32, #tpu.memory_space<vmem>>, vector<16xi32>,
    %get3A_1114 = vector.shape_cast %get3A_1113 : vector<16xi32> to vector<16xi32>
    %get3A_1115 = arith.constant 384 : index
    %get3A_1116 = tpu.vector_load %arg7[%get3A_1115] {strides = array<i32>} : memref<512xi32, #tpu.memory_space<vmem>>, vector<16xi32>,
    %get3A_1117 = vector.shape_cast %get3A_1116 : vector<16xi32> to vector<16xi32>
    %jit3A_1118 = arith.constant 0 : i32
    %jit3A_1119 = arith.constant 0 : i32
    %max3A_1120 = vector.broadcast %jit3A_1118 : i32 to vector<16xi32>
    %max3A_1121 = arith.maxsi %max3A_1120, %get3A_1114 : vector<16xi32>
    %min3A_1122 = vector.broadcast %jit3A_1119 : i32 to vector<16xi32>
    %min3A_1123 = arith.minsi %min3A_1122, %max3A_1121 : vector<16xi32>
    %jit3A_1124 = arith.constant 0 : i32
    %jit3A_1125 = arith.constant 0 : i32
    %max3A_1126 = vector.broadcast %jit3A_1124 : i32 to vector<16xi32>
    %max3A_1127 = arith.maxsi %max3A_1126, %get3A_1117 : vector<16xi32>
    %min3A_1128 = vector.broadcast %jit3A_1125 : i32 to vector<16xi32>
    %min3A_1129 = arith.minsi %min3A_1128, %max3A_1127 : vector<16xi32>
    %eq3A_1130 = arith.constant 0 : i32
    %eq3A_1131 = vector.broadcast %eq3A_1130 : i32 to vector<16xi32>
    %eq3A_1132 = arith.cmpi eq, %min3A_1123, %eq3A_1131 : vector<16xi32>
    %eq3A_1133 = arith.constant 0 : i32
    %eq3A_1134 = vector.broadcast %eq3A_1133 : i32 to vector<16xi32>
    %eq3A_1135 = arith.cmpi eq, %min3A_1129, %eq3A_1134 : vector<16xi32>
    %and3A_1136 = arith.andi %eq3A_1132, %eq3A_1135 : vector<16xi1>
    %broadcast_in_dim3A_1137 = vector.broadcast %add3A_89 : f32 to vector<16xf32>
    %broadcast_in_dim3A_1138 = arith.constant 0.000000e+00 : f32
    %broadcast_in_dim3A_1139 = vector.broadcast %broadcast_in_dim3A_1138 : f32 to vector<16xf32>
    %select_n3A_1140 = arith.select %and3A_1136, %broadcast_in_dim3A_1137, %broadcast_in_dim3A_1139 : vector<16xi1>, vector<16xf32>
    %neg3A_1141 = arith.constant 0.000000e+00 : f32
    %neg3A_1142 = vector.broadcast %neg3A_1141 : f32 to vector<16xf32>
    %neg3A_1143 = arith.subf %neg3A_1142, %select_n3A_1140 : vector<16xf32>
    %exp3A_1144 = math.exp %neg3A_1143 : vector<16xf32>
    %add3A_1145 = arith.constant 1.000000e+00 : f32
    %add3A_1146 = vector.broadcast %add3A_1145 : f32 to vector<16xf32>
    %add3A_1147 = arith.addf %add3A_1146, %exp3A_1144 : vector<16xf32>
    %div3A_1148 = arith.constant 1.000000e+00 : f32
    %div3A_1149 = vector.broadcast %div3A_1148 : f32 to vector<16xf32>
    %div3A_1150 = arith.divf %div3A_1149, %add3A_1147 : vector<16xf32>
    %swap3A_1151 = arith.constant 384 : index
    %swap3A_1152 = tpu.vector_load %arg9[%swap3A_1151] {strides = array<i32>} : memref<512xf32, #tpu.memory_space<vmem>>, vector<16xf32>,
    %swap3A_1153 = vector.shape_cast %swap3A_1152 : vector<16xf32> to vector<16xf32>
    %swap3A_1154 = vector.shape_cast %div3A_1150 : vector<16xf32> to vector<16xf32>
    tpu.vector_store %arg9[%swap3A_1151], %swap3A_1154 {strides = array<i32>} : memref<512xf32, #tpu.memory_space<vmem>>, vector<16xf32>,
    %get3A_1155 = arith.constant 400 : index
    %get3A_1156 = tpu.vector_load %arg6[%get3A_1155] {strides = array<i32>} : memref<512xi32, #tpu.memory_space<vmem>>, vector<16xi32>,
    %get3A_1157 = vector.shape_cast %get3A_1156 : vector<16xi32> to vector<16xi32>
    %get3A_1158 = arith.constant 400 : index
    %get3A_1159 = tpu.vector_load %arg7[%get3A_1158] {strides = array<i32>} : memref<512xi32, #tpu.memory_space<vmem>>, vector<16xi32>,
    %get3A_1160 = vector.shape_cast %get3A_1159 : vector<16xi32> to vector<16xi32>
    %jit3A_1161 = arith.constant 0 : i32
    %jit3A_1162 = arith.constant 0 : i32
    %max3A_1163 = vector.broadcast %jit3A_1161 : i32 to vector<16xi32>
    %max3A_1164 = arith.maxsi %max3A_1163, %get3A_1157 : vector<16xi32>
    %min3A_1165 = vector.broadcast %jit3A_1162 : i32 to vector<16xi32>
    %min3A_1166 = arith.minsi %min3A_1165, %max3A_1164 : vector<16xi32>
    %jit3A_1167 = arith.constant 0 : i32
    %jit3A_1168 = arith.constant 0 : i32
    %max3A_1169 = vector.broadcast %jit3A_1167 : i32 to vector<16xi32>
    %max3A_1170 = arith.maxsi %max3A_1169, %get3A_1160 : vector<16xi32>
    %min3A_1171 = vector.broadcast %jit3A_1168 : i32 to vector<16xi32>
    %min3A_1172 = arith.minsi %min3A_1171, %max3A_1170 : vector<16xi32>
    %eq3A_1173 = arith.constant 0 : i32
    %eq3A_1174 = vector.broadcast %eq3A_1173 : i32 to vector<16xi32>
    %eq3A_1175 = arith.cmpi eq, %min3A_1166, %eq3A_1174 : vector<16xi32>
    %eq3A_1176 = arith.constant 0 : i32
    %eq3A_1177 = vector.broadcast %eq3A_1176 : i32 to vector<16xi32>
    %eq3A_1178 = arith.cmpi eq, %min3A_1172, %eq3A_1177 : vector<16xi32>
    %and3A_1179 = arith.andi %eq3A_1175, %eq3A_1178 : vector<16xi1>
    %broadcast_in_dim3A_1180 = vector.broadcast %add3A_89 : f32 to vector<16xf32>
    %broadcast_in_dim3A_1181 = arith.constant 0.000000e+00 : f32
    %broadcast_in_dim3A_1182 = vector.broadcast %broadcast_in_dim3A_1181 : f32 to vector<16xf32>
    %select_n3A_1183 = arith.select %and3A_1179, %broadcast_in_dim3A_1180, %broadcast_in_dim3A_1182 : vector<16xi1>, vector<16xf32>
    %neg3A_1184 = arith.constant 0.000000e+00 : f32
    %neg3A_1185 = vector.broadcast %neg3A_1184 : f32 to vector<16xf32>
    %neg3A_1186 = arith.subf %neg3A_1185, %select_n3A_1183 : vector<16xf32>
    %exp3A_1187 = math.exp %neg3A_1186 : vector<16xf32>
    %add3A_1188 = arith.constant 1.000000e+00 : f32
    %add3A_1189 = vector.broadcast %add3A_1188 : f32 to vector<16xf32>
    %add3A_1190 = arith.addf %add3A_1189, %exp3A_1187 : vector<16xf32>
    %div3A_1191 = arith.constant 1.000000e+00 : f32
    %div3A_1192 = vector.broadcast %div3A_1191 : f32 to vector<16xf32>
    %div3A_1193 = arith.divf %div3A_1192, %add3A_1190 : vector<16xf32>
    %swap3A_1194 = arith.constant 400 : index
    %swap3A_1195 = tpu.vector_load %arg9[%swap3A_1194] {strides = array<i32>} : memref<512xf32, #tpu.memory_space<vmem>>, vector<16xf32>,
    %swap3A_1196 = vector.shape_cast %swap3A_1195 : vector<16xf32> to vector<16xf32>
    %swap3A_1197 = vector.shape_cast %div3A_1193 : vector<16xf32> to vector<16xf32>
    tpu.vector_store %arg9[%swap3A_1194], %swap3A_1197 {strides = array<i32>} : memref<512xf32, #tpu.memory_space<vmem>>, vector<16xf32>,
    %get3A_1198 = arith.constant 416 : index
    %get3A_1199 = tpu.vector_load %arg6[%get3A_1198] {strides = array<i32>} : memref<512xi32, #tpu.memory_space<vmem>>, vector<16xi32>,
    %get3A_1200 = vector.shape_cast %get3A_1199 : vector<16xi32> to vector<16xi32>
    %get3A_1201 = arith.constant 416 : index
    %get3A_1202 = tpu.vector_load %arg7[%get3A_1201] {strides = array<i32>} : memref<512xi32, #tpu.memory_space<vmem>>, vector<16xi32>,
    %get3A_1203 = vector.shape_cast %get3A_1202 : vector<16xi32> to vector<16xi32>
    %jit3A_1204 = arith.constant 0 : i32
    %jit3A_1205 = arith.constant 0 : i32
    %max3A_1206 = vector.broadcast %jit3A_1204 : i32 to vector<16xi32>
    %max3A_1207 = arith.maxsi %max3A_1206, %get3A_1200 : vector<16xi32>
    %min3A_1208 = vector.broadcast %jit3A_1205 : i32 to vector<16xi32>
    %min3A_1209 = arith.minsi %min3A_1208, %max3A_1207 : vector<16xi32>
    %jit3A_1210 = arith.constant 0 : i32
    %jit3A_1211 = arith.constant 0 : i32
    %max3A_1212 = vector.broadcast %jit3A_1210 : i32 to vector<16xi32>
    %max3A_1213 = arith.maxsi %max3A_1212, %get3A_1203 : vector<16xi32>
    %min3A_1214 = vector.broadcast %jit3A_1211 : i32 to vector<16xi32>
    %min3A_1215 = arith.minsi %min3A_1214, %max3A_1213 : vector<16xi32>
    %eq3A_1216 = arith.constant 0 : i32
    %eq3A_1217 = vector.broadcast %eq3A_1216 : i32 to vector<16xi32>
    %eq3A_1218 = arith.cmpi eq, %min3A_1209, %eq3A_1217 : vector<16xi32>
    %eq3A_1219 = arith.constant 0 : i32
    %eq3A_1220 = vector.broadcast %eq3A_1219 : i32 to vector<16xi32>
    %eq3A_1221 = arith.cmpi eq, %min3A_1215, %eq3A_1220 : vector<16xi32>
    %and3A_1222 = arith.andi %eq3A_1218, %eq3A_1221 : vector<16xi1>
    %broadcast_in_dim3A_1223 = vector.broadcast %add3A_89 : f32 to vector<16xf32>
    %broadcast_in_dim3A_1224 = arith.constant 0.000000e+00 : f32
    %broadcast_in_dim3A_1225 = vector.broadcast %broadcast_in_dim3A_1224 : f32 to vector<16xf32>
    %select_n3A_1226 = arith.select %and3A_1222, %broadcast_in_dim3A_1223, %broadcast_in_dim3A_1225 : vector<16xi1>, vector<16xf32>
    %neg3A_1227 = arith.constant 0.000000e+00 : f32
    %neg3A_1228 = vector.broadcast %neg3A_1227 : f32 to vector<16xf32>
    %neg3A_1229 = arith.subf %neg3A_1228, %select_n3A_1226 : vector<16xf32>
    %exp3A_1230 = math.exp %neg3A_1229 : vector<16xf32>
    %add3A_1231 = arith.constant 1.000000e+00 : f32
    %add3A_1232 = vector.broadcast %add3A_1231 : f32 to vector<16xf32>
    %add3A_1233 = arith.addf %add3A_1232, %exp3A_1230 : vector<16xf32>
    %div3A_1234 = arith.constant 1.000000e+00 : f32
    %div3A_1235 = vector.broadcast %div3A_1234 : f32 to vector<16xf32>
    %div3A_1236 = arith.divf %div3A_1235, %add3A_1233 : vector<16xf32>
    %swap3A_1237 = arith.constant 416 : index
    %swap3A_1238 = tpu.vector_load %arg9[%swap3A_1237] {strides = array<i32>} : memref<512xf32, #tpu.memory_space<vmem>>, vector<16xf32>,
    %swap3A_1239 = vector.shape_cast %swap3A_1238 : vector<16xf32> to vector<16xf32>
    %swap3A_1240 = vector.shape_cast %div3A_1236 : vector<16xf32> to vector<16xf32>
    tpu.vector_store %arg9[%swap3A_1237], %swap3A_1240 {strides = array<i32>} : memref<512xf32, #tpu.memory_space<vmem>>, vector<16xf32>,
    %get3A_1241 = arith.constant 432 : index
    %get3A_1242 = tpu.vector_load %arg6[%get3A_1241] {strides = array<i32>} : memref<512xi32, #tpu.memory_space<vmem>>, vector<16xi32>,
    %get3A_1243 = vector.shape_cast %get3A_1242 : vector<16xi32> to vector<16xi32>
    %get3A_1244 = arith.constant 432 : index
    %get3A_1245 = tpu.vector_load %arg7[%get3A_1244] {strides = array<i32>} : memref<512xi32, #tpu.memory_space<vmem>>, vector<16xi32>,
    %get3A_1246 = vector.shape_cast %get3A_1245 : vector<16xi32> to vector<16xi32>
    %jit3A_1247 = arith.constant 0 : i32
    %jit3A_1248 = arith.constant 0 : i32
    %max3A_1249 = vector.broadcast %jit3A_1247 : i32 to vector<16xi32>
    %max3A_1250 = arith.maxsi %max3A_1249, %get3A_1243 : vector<16xi32>
    %min3A_1251 = vector.broadcast %jit3A_1248 : i32 to vector<16xi32>
    %min3A_1252 = arith.minsi %min3A_1251, %max3A_1250 : vector<16xi32>
    %jit3A_1253 = arith.constant 0 : i32
    %jit3A_1254 = arith.constant 0 : i32
    %max3A_1255 = vector.broadcast %jit3A_1253 : i32 to vector<16xi32>
    %max3A_1256 = arith.maxsi %max3A_1255, %get3A_1246 : vector<16xi32>
    %min3A_1257 = vector.broadcast %jit3A_1254 : i32 to vector<16xi32>
    %min3A_1258 = arith.minsi %min3A_1257, %max3A_1256 : vector<16xi32>
    %eq3A_1259 = arith.constant 0 : i32
    %eq3A_1260 = vector.broadcast %eq3A_1259 : i32 to vector<16xi32>
    %eq3A_1261 = arith.cmpi eq, %min3A_1252, %eq3A_1260 : vector<16xi32>
    %eq3A_1262 = arith.constant 0 : i32
    %eq3A_1263 = vector.broadcast %eq3A_1262 : i32 to vector<16xi32>
    %eq3A_1264 = arith.cmpi eq, %min3A_1258, %eq3A_1263 : vector<16xi32>
    %and3A_1265 = arith.andi %eq3A_1261, %eq3A_1264 : vector<16xi1>
    %broadcast_in_dim3A_1266 = vector.broadcast %add3A_89 : f32 to vector<16xf32>
    %broadcast_in_dim3A_1267 = arith.constant 0.000000e+00 : f32
    %broadcast_in_dim3A_1268 = vector.broadcast %broadcast_in_dim3A_1267 : f32 to vector<16xf32>
    %select_n3A_1269 = arith.select %and3A_1265, %broadcast_in_dim3A_1266, %broadcast_in_dim3A_1268 : vector<16xi1>, vector<16xf32>
    %neg3A_1270 = arith.constant 0.000000e+00 : f32
    %neg3A_1271 = vector.broadcast %neg3A_1270 : f32 to vector<16xf32>
    %neg3A_1272 = arith.subf %neg3A_1271, %select_n3A_1269 : vector<16xf32>
    %exp3A_1273 = math.exp %neg3A_1272 : vector<16xf32>
    %add3A_1274 = arith.constant 1.000000e+00 : f32
    %add3A_1275 = vector.broadcast %add3A_1274 : f32 to vector<16xf32>
    %add3A_1276 = arith.addf %add3A_1275, %exp3A_1273 : vector<16xf32>
    %div3A_1277 = arith.constant 1.000000e+00 : f32
    %div3A_1278 = vector.broadcast %div3A_1277 : f32 to vector<16xf32>
    %div3A_1279 = arith.divf %div3A_1278, %add3A_1276 : vector<16xf32>
    %swap3A_1280 = arith.constant 432 : index
    %swap3A_1281 = tpu.vector_load %arg9[%swap3A_1280] {strides = array<i32>} : memref<512xf32, #tpu.memory_space<vmem>>, vector<16xf32>,
    %swap3A_1282 = vector.shape_cast %swap3A_1281 : vector<16xf32> to vector<16xf32>
    %swap3A_1283 = vector.shape_cast %div3A_1279 : vector<16xf32> to vector<16xf32>
    tpu.vector_store %arg9[%swap3A_1280], %swap3A_1283 {strides = array<i32>} : memref<512xf32, #tpu.memory_space<vmem>>, vector<16xf32>,
    %get3A_1284 = arith.constant 448 : index
    %get3A_1285 = tpu.vector_load %arg6[%get3A_1284] {strides = array<i32>} : memref<512xi32, #tpu.memory_space<vmem>>, vector<16xi32>,
    %get3A_1286 = vector.shape_cast %get3A_1285 : vector<16xi32> to vector<16xi32>
    %get3A_1287 = arith.constant 448 : index
    %get3A_1288 = tpu.vector_load %arg7[%get3A_1287] {strides = array<i32>} : memref<512xi32, #tpu.memory_space<vmem>>, vector<16xi32>,
    %get3A_1289 = vector.shape_cast %get3A_1288 : vector<16xi32> to vector<16xi32>
    %jit3A_1290 = arith.constant 0 : i32
    %jit3A_1291 = arith.constant 0 : i32
    %max3A_1292 = vector.broadcast %jit3A_1290 : i32 to vector<16xi32>
    %max3A_1293 = arith.maxsi %max3A_1292, %get3A_1286 : vector<16xi32>
    %min3A_1294 = vector.broadcast %jit3A_1291 : i32 to vector<16xi32>
    %min3A_1295 = arith.minsi %min3A_1294, %max3A_1293 : vector<16xi32>
    %jit3A_1296 = arith.constant 0 : i32
    %jit3A_1297 = arith.constant 0 : i32
    %max3A_1298 = vector.broadcast %jit3A_1296 : i32 to vector<16xi32>
    %max3A_1299 = arith.maxsi %max3A_1298, %get3A_1289 : vector<16xi32>
    %min3A_1300 = vector.broadcast %jit3A_1297 : i32 to vector<16xi32>
    %min3A_1301 = arith.minsi %min3A_1300, %max3A_1299 : vector<16xi32>
    %eq3A_1302 = arith.constant 0 : i32
    %eq3A_1303 = vector.broadcast %eq3A_1302 : i32 to vector<16xi32>
    %eq3A_1304 = arith.cmpi eq, %min3A_1295, %eq3A_1303 : vector<16xi32>
    %eq3A_1305 = arith.constant 0 : i32
    %eq3A_1306 = vector.broadcast %eq3A_1305 : i32 to vector<16xi32>
    %eq3A_1307 = arith.cmpi eq, %min3A_1301, %eq3A_1306 : vector<16xi32>
    %and3A_1308 = arith.andi %eq3A_1304, %eq3A_1307 : vector<16xi1>
    %broadcast_in_dim3A_1309 = vector.broadcast %add3A_89 : f32 to vector<16xf32>
    %broadcast_in_dim3A_1310 = arith.constant 0.000000e+00 : f32
    %broadcast_in_dim3A_1311 = vector.broadcast %broadcast_in_dim3A_1310 : f32 to vector<16xf32>
    %select_n3A_1312 = arith.select %and3A_1308, %broadcast_in_dim3A_1309, %broadcast_in_dim3A_1311 : vector<16xi1>, vector<16xf32>
    %neg3A_1313 = arith.constant 0.000000e+00 : f32
    %neg3A_1314 = vector.broadcast %neg3A_1313 : f32 to vector<16xf32>
    %neg3A_1315 = arith.subf %neg3A_1314, %select_n3A_1312 : vector<16xf32>
    %exp3A_1316 = math.exp %neg3A_1315 : vector<16xf32>
    %add3A_1317 = arith.constant 1.000000e+00 : f32
    %add3A_1318 = vector.broadcast %add3A_1317 : f32 to vector<16xf32>
    %add3A_1319 = arith.addf %add3A_1318, %exp3A_1316 : vector<16xf32>
    %div3A_1320 = arith.constant 1.000000e+00 : f32
    %div3A_1321 = vector.broadcast %div3A_1320 : f32 to vector<16xf32>
    %div3A_1322 = arith.divf %div3A_1321, %add3A_1319 : vector<16xf32>
    %swap3A_1323 = arith.constant 448 : index
    %swap3A_1324 = tpu.vector_load %arg9[%swap3A_1323] {strides = array<i32>} : memref<512xf32, #tpu.memory_space<vmem>>, vector<16xf32>,
    %swap3A_1325 = vector.shape_cast %swap3A_1324 : vector<16xf32> to vector<16xf32>
    %swap3A_1326 = vector.shape_cast %div3A_1322 : vector<16xf32> to vector<16xf32>
    tpu.vector_store %arg9[%swap3A_1323], %swap3A_1326 {strides = array<i32>} : memref<512xf32, #tpu.memory_space<vmem>>, vector<16xf32>,
    %get3A_1327 = arith.constant 464 : index
    %get3A_1328 = tpu.vector_load %arg6[%get3A_1327] {strides = array<i32>} : memref<512xi32, #tpu.memory_space<vmem>>, vector<16xi32>,
    %get3A_1329 = vector.shape_cast %get3A_1328 : vector<16xi32> to vector<16xi32>
    %get3A_1330 = arith.constant 464 : index
    %get3A_1331 = tpu.vector_load %arg7[%get3A_1330] {strides = array<i32>} : memref<512xi32, #tpu.memory_space<vmem>>, vector<16xi32>,
    %get3A_1332 = vector.shape_cast %get3A_1331 : vector<16xi32> to vector<16xi32>
    %jit3A_1333 = arith.constant 0 : i32
    %jit3A_1334 = arith.constant 0 : i32
    %max3A_1335 = vector.broadcast %jit3A_1333 : i32 to vector<16xi32>
    %max3A_1336 = arith.maxsi %max3A_1335, %get3A_1329 : vector<16xi32>
    %min3A_1337 = vector.broadcast %jit3A_1334 : i32 to vector<16xi32>
    %min3A_1338 = arith.minsi %min3A_1337, %max3A_1336 : vector<16xi32>
    %jit3A_1339 = arith.constant 0 : i32
    %jit3A_1340 = arith.constant 0 : i32
    %max3A_1341 = vector.broadcast %jit3A_1339 : i32 to vector<16xi32>
    %max3A_1342 = arith.maxsi %max3A_1341, %get3A_1332 : vector<16xi32>
    %min3A_1343 = vector.broadcast %jit3A_1340 : i32 to vector<16xi32>
    %min3A_1344 = arith.minsi %min3A_1343, %max3A_1342 : vector<16xi32>
    %eq3A_1345 = arith.constant 0 : i32
    %eq3A_1346 = vector.broadcast %eq3A_1345 : i32 to vector<16xi32>
    %eq3A_1347 = arith.cmpi eq, %min3A_1338, %eq3A_1346 : vector<16xi32>
    %eq3A_1348 = arith.constant 0 : i32
    %eq3A_1349 = vector.broadcast %eq3A_1348 : i32 to vector<16xi32>
    %eq3A_1350 = arith.cmpi eq, %min3A_1344, %eq3A_1349 : vector<16xi32>
    %and3A_1351 = arith.andi %eq3A_1347, %eq3A_1350 : vector<16xi1>
    %broadcast_in_dim3A_1352 = vector.broadcast %add3A_89 : f32 to vector<16xf32>
    %broadcast_in_dim3A_1353 = arith.constant 0.000000e+00 : f32
    %broadcast_in_dim3A_1354 = vector.broadcast %broadcast_in_dim3A_1353 : f32 to vector<16xf32>
    %select_n3A_1355 = arith.select %and3A_1351, %broadcast_in_dim3A_1352, %broadcast_in_dim3A_1354 : vector<16xi1>, vector<16xf32>
    %neg3A_1356 = arith.constant 0.000000e+00 : f32
    %neg3A_1357 = vector.broadcast %neg3A_1356 : f32 to vector<16xf32>
    %neg3A_1358 = arith.subf %neg3A_1357, %select_n3A_1355 : vector<16xf32>
    %exp3A_1359 = math.exp %neg3A_1358 : vector<16xf32>
    %add3A_1360 = arith.constant 1.000000e+00 : f32
    %add3A_1361 = vector.broadcast %add3A_1360 : f32 to vector<16xf32>
    %add3A_1362 = arith.addf %add3A_1361, %exp3A_1359 : vector<16xf32>
    %div3A_1363 = arith.constant 1.000000e+00 : f32
    %div3A_1364 = vector.broadcast %div3A_1363 : f32 to vector<16xf32>
    %div3A_1365 = arith.divf %div3A_1364, %add3A_1362 : vector<16xf32>
    %swap3A_1366 = arith.constant 464 : index
    %swap3A_1367 = tpu.vector_load %arg9[%swap3A_1366] {strides = array<i32>} : memref<512xf32, #tpu.memory_space<vmem>>, vector<16xf32>,
    %swap3A_1368 = vector.shape_cast %swap3A_1367 : vector<16xf32> to vector<16xf32>
    %swap3A_1369 = vector.shape_cast %div3A_1365 : vector<16xf32> to vector<16xf32>
    tpu.vector_store %arg9[%swap3A_1366], %swap3A_1369 {strides = array<i32>} : memref<512xf32, #tpu.memory_space<vmem>>, vector<16xf32>,
    %get3A_1370 = arith.constant 480 : index
    %get3A_1371 = tpu.vector_load %arg6[%get3A_1370] {strides = array<i32>} : memref<512xi32, #tpu.memory_space<vmem>>, vector<16xi32>,
    %get3A_1372 = vector.shape_cast %get3A_1371 : vector<16xi32> to vector<16xi32>
    %get3A_1373 = arith.constant 480 : index
    %get3A_1374 = tpu.vector_load %arg7[%get3A_1373] {strides = array<i32>} : memref<512xi32, #tpu.memory_space<vmem>>, vector<16xi32>,
    %get3A_1375 = vector.shape_cast %get3A_1374 : vector<16xi32> to vector<16xi32>
    %jit3A_1376 = arith.constant 0 : i32
    %jit3A_1377 = arith.constant 0 : i32
    %max3A_1378 = vector.broadcast %jit3A_1376 : i32 to vector<16xi32>
    %max3A_1379 = arith.maxsi %max3A_1378, %get3A_1372 : vector<16xi32>
    %min3A_1380 = vector.broadcast %jit3A_1377 : i32 to vector<16xi32>
    %min3A_1381 = arith.minsi %min3A_1380, %max3A_1379 : vector<16xi32>
    %jit3A_1382 = arith.constant 0 : i32
    %jit3A_1383 = arith.constant 0 : i32
    %max3A_1384 = vector.broadcast %jit3A_1382 : i32 to vector<16xi32>
    %max3A_1385 = arith.maxsi %max3A_1384, %get3A_1375 : vector<16xi32>
    %min3A_1386 = vector.broadcast %jit3A_1383 : i32 to vector<16xi32>
    %min3A_1387 = arith.minsi %min3A_1386, %max3A_1385 : vector<16xi32>
    %eq3A_1388 = arith.constant 0 : i32
    %eq3A_1389 = vector.broadcast %eq3A_1388 : i32 to vector<16xi32>
    %eq3A_1390 = arith.cmpi eq, %min3A_1381, %eq3A_1389 : vector<16xi32>
    %eq3A_1391 = arith.constant 0 : i32
    %eq3A_1392 = vector.broadcast %eq3A_1391 : i32 to vector<16xi32>
    %eq3A_1393 = arith.cmpi eq, %min3A_1387, %eq3A_1392 : vector<16xi32>
    %and3A_1394 = arith.andi %eq3A_1390, %eq3A_1393 : vector<16xi1>
    %broadcast_in_dim3A_1395 = vector.broadcast %add3A_89 : f32 to vector<16xf32>
    %broadcast_in_dim3A_1396 = arith.constant 0.000000e+00 : f32
    %broadcast_in_dim3A_1397 = vector.broadcast %broadcast_in_dim3A_1396 : f32 to vector<16xf32>
    %select_n3A_1398 = arith.select %and3A_1394, %broadcast_in_dim3A_1395, %broadcast_in_dim3A_1397 : vector<16xi1>, vector<16xf32>
    %neg3A_1399 = arith.constant 0.000000e+00 : f32
    %neg3A_1400 = vector.broadcast %neg3A_1399 : f32 to vector<16xf32>
    %neg3A_1401 = arith.subf %neg3A_1400, %select_n3A_1398 : vector<16xf32>
    %exp3A_1402 = math.exp %neg3A_1401 : vector<16xf32>
    %add3A_1403 = arith.constant 1.000000e+00 : f32
    %add3A_1404 = vector.broadcast %add3A_1403 : f32 to vector<16xf32>
    %add3A_1405 = arith.addf %add3A_1404, %exp3A_1402 : vector<16xf32>
    %div3A_1406 = arith.constant 1.000000e+00 : f32
    %div3A_1407 = vector.broadcast %div3A_1406 : f32 to vector<16xf32>
    %div3A_1408 = arith.divf %div3A_1407, %add3A_1405 : vector<16xf32>
    %swap3A_1409 = arith.constant 480 : index
    %swap3A_1410 = tpu.vector_load %arg9[%swap3A_1409] {strides = array<i32>} : memref<512xf32, #tpu.memory_space<vmem>>, vector<16xf32>,
    %swap3A_1411 = vector.shape_cast %swap3A_1410 : vector<16xf32> to vector<16xf32>
    %swap3A_1412 = vector.shape_cast %div3A_1408 : vector<16xf32> to vector<16xf32>
    tpu.vector_store %arg9[%swap3A_1409], %swap3A_1412 {strides = array<i32>} : memref<512xf32, #tpu.memory_space<vmem>>, vector<16xf32>,
    %get3A_1413 = arith.constant 496 : index
    %get3A_1414 = tpu.vector_load %arg6[%get3A_1413] {strides = array<i32>} : memref<512xi32, #tpu.memory_space<vmem>>, vector<16xi32>,
    %get3A_1415 = vector.shape_cast %get3A_1414 : vector<16xi32> to vector<16xi32>
    %get3A_1416 = arith.constant 496 : index
    %get3A_1417 = tpu.vector_load %arg7[%get3A_1416] {strides = array<i32>} : memref<512xi32, #tpu.memory_space<vmem>>, vector<16xi32>,
    %get3A_1418 = vector.shape_cast %get3A_1417 : vector<16xi32> to vector<16xi32>
    %jit3A_1419 = arith.constant 0 : i32
    %jit3A_1420 = arith.constant 0 : i32
    %max3A_1421 = vector.broadcast %jit3A_1419 : i32 to vector<16xi32>
    %max3A_1422 = arith.maxsi %max3A_1421, %get3A_1415 : vector<16xi32>
    %min3A_1423 = vector.broadcast %jit3A_1420 : i32 to vector<16xi32>
    %min3A_1424 = arith.minsi %min3A_1423, %max3A_1422 : vector<16xi32>
    %jit3A_1425 = arith.constant 0 : i32
    %jit3A_1426 = arith.constant 0 : i32
    %max3A_1427 = vector.broadcast %jit3A_1425 : i32 to vector<16xi32>
    %max3A_1428 = arith.maxsi %max3A_1427, %get3A_1418 : vector<16xi32>
    %min3A_1429 = vector.broadcast %jit3A_1426 : i32 to vector<16xi32>
    %min3A_1430 = arith.minsi %min3A_1429, %max3A_1428 : vector<16xi32>
    %eq3A_1431 = arith.constant 0 : i32
    %eq3A_1432 = vector.broadcast %eq3A_1431 : i32 to vector<16xi32>
    %eq3A_1433 = arith.cmpi eq, %min3A_1424, %eq3A_1432 : vector<16xi32>
    %eq3A_1434 = arith.constant 0 : i32
    %eq3A_1435 = vector.broadcast %eq3A_1434 : i32 to vector<16xi32>
    %eq3A_1436 = arith.cmpi eq, %min3A_1430, %eq3A_1435 : vector<16xi32>
    %and3A_1437 = arith.andi %eq3A_1433, %eq3A_1436 : vector<16xi1>
    %broadcast_in_dim3A_1438 = vector.broadcast %add3A_89 : f32 to vector<16xf32>
    %broadcast_in_dim3A_1439 = arith.constant 0.000000e+00 : f32
    %broadcast_in_dim3A_1440 = vector.broadcast %broadcast_in_dim3A_1439 : f32 to vector<16xf32>
    %select_n3A_1441 = arith.select %and3A_1437, %broadcast_in_dim3A_1438, %broadcast_in_dim3A_1440 : vector<16xi1>, vector<16xf32>
    %neg3A_1442 = arith.constant 0.000000e+00 : f32
    %neg3A_1443 = vector.broadcast %neg3A_1442 : f32 to vector<16xf32>
    %neg3A_1444 = arith.subf %neg3A_1443, %select_n3A_1441 : vector<16xf32>
    %exp3A_1445 = math.exp %neg3A_1444 : vector<16xf32>
    %add3A_1446 = arith.constant 1.000000e+00 : f32
    %add3A_1447 = vector.broadcast %add3A_1446 : f32 to vector<16xf32>
    %add3A_1448 = arith.addf %add3A_1447, %exp3A_1445 : vector<16xf32>
    %div3A_1449 = arith.constant 1.000000e+00 : f32
    %div3A_1450 = vector.broadcast %div3A_1449 : f32 to vector<16xf32>
    %div3A_1451 = arith.divf %div3A_1450, %add3A_1448 : vector<16xf32>
    %swap3A_1452 = arith.constant 496 : index
    %swap3A_1453 = tpu.vector_load %arg9[%swap3A_1452] {strides = array<i32>} : memref<512xf32, #tpu.memory_space<vmem>>, vector<16xf32>,
    %swap3A_1454 = vector.shape_cast %swap3A_1453 : vector<16xf32> to vector<16xf32>
    %swap3A_1455 = vector.shape_cast %div3A_1451 : vector<16xf32> to vector<16xf32>
    tpu.vector_store %arg9[%swap3A_1452], %swap3A_1455 {strides = array<i32>} : memref<512xf32, #tpu.memory_space<vmem>>, vector<16xf32>,
    "tpu.region"() ({
      %run_scoped3A = tpu.sem_alloc : memref<!tpu.dma_semaphore, #tpu.memory_space<semaphore_mem>>
      %dma_start3A = tpu.memref_slice %arg5[%mul3A_2] : memref<16384xf32, #tpu.memory_space<hbm>> -> memref<512xf32, #tpu.memory_space<hbm>>
      %dma_start3A_1456 = tpu.memref_slice %arg5[%mul3A_2] : memref<16384xf32, #tpu.memory_space<hbm>> -> memref<512xf32, #tpu.memory_space<hbm>>
      tpu.enqueue_dma source(%arg9 : memref<512xf32, #tpu.memory_space<vmem>>) target(%dma_start3A_1456 : memref<512xf32, #tpu.memory_space<hbm>>) target_semaphore(%run_scoped3A : memref<!tpu.dma_semaphore, #tpu.memory_space<semaphore_mem>>)
      %dma_wait3A = tpu.memref_slice %arg5[%mul3A_2] : memref<16384xf32, #tpu.memory_space<hbm>> -> memref<512xf32, #tpu.memory_space<hbm>>
      %dma_wait3A_1457 = tpu.memref_slice %arg5[%mul3A_2] : memref<16384xf32, #tpu.memory_space<hbm>> -> memref<512xf32, #tpu.memory_space<hbm>>
      tpu.wait_dma2 semaphore(%run_scoped3A : memref<!tpu.dma_semaphore, #tpu.memory_space<semaphore_mem>>) src(%arg9 : memref<512xf32, #tpu.memory_space<vmem>>) dst(%dma_wait3A_1457 : memref<512xf32, #tpu.memory_space<hbm>>)
      tpu.yield
    }) : () -> ()
    return
  }
}

</mosaic_0001>

<sc_bundles>
// kernel: kernel.3.cloned.1.call-start
scs
__scs_entry_jumppad:
0x0: {  	(pc) =	sbr.rel $0x88, $3  }
0x1: {  	(tag) =	ssettag $0x0;
	lr =	simm.s32 $0x1  }
0x2: {  	[smem:$0x3F9F] =	sst lr;
	_ =	strace $0xD0000000  }
0x3: {  	_ = 	snop  }
0x4: {  	_ = 	snop  }
0x5: {  	_ = 	snop  }
0x6: {  	_ = 	snop  }
0x7: {  	_ = 	snop  }
__scs_overlays_trampoline_lowered:
0x8: {  	[smem:$0x3FAE] =	sst s0  }
0x9: {  	[smem:$0x3FAF] =	sst s1  }
0xa: {  	[smem:$0x3FB0] =	sst s2  }
0xb: {  	[smem:$0x3FB1] =	sst s3  }
0xc: {  	[smem:$0x3FB2] =	sst s4  }
0xd: {  	[smem:$0x3FB3] =	sst s5  }
0xe: {  	[smem:$0x3FB4] =	sst s6  }
0xf: {  	[smem:$0x3FB5] =	sst s7  }
0x10: {  	[smem:$0x3FB6] =	sst s8  }
0x11: {  	[smem:$0x3FB7] =	sst s9;
	s0 =	simm.s32 @!p0 $0x0  }
0x12: {  	s1 =	sld [smem:$0x3F9D];
	s0 =	simm.s32 @p0 $0x1  }
0x13: {  	[smem:$0x3FB8] =	sst s0;
	s0 =	simm.s32 @!p1 $0x0  }
0x14: {  	s2 =	sld [smem:$0x3F9C];
	s0 =	simm.s32 @p1 $0x1  }
0x15: {  	[smem:$0x3FB9] =	sst s0;
	s0 =	simm.s32 @!p2 $0x0  }
0x16: {  	s3 =	sld [smem:$0x3FDB];
	s0 =	simm.s32 @p2 $0x1  }
0x17: {  	s4 =	simm.s32 $0x1BF5;
	[smem:$0x3FBB] =	sst s0  }
0x18: {  	s0 =	sld [smem:$0x3F9E];
	_ =	swait.ge [sflag:s4], $0x0  }
0x19: {  	s7 =	sld [smem:$0x3F9F]  }
0x1a: {  	s8 =	sadd.s32 $0xFFFFE003, lr  }
0x1b: {  	s9 =	sadd.s32 $0xFFFFFEF7, lr;
	s5 =	simm.s32 $0xFFFFFFFF;
	p2 =	slt.u32 s8, $0xFFFFF086  }
0x1c: {  	p1 =	slt.u32 s9, $0xF7A;
	s5 =	simm.s32 @!p2 $0x0  }
0x1d: {  	s5 =	simm.s32 @p1 $0x1;
	p0 =	seq.s32 s7, s2  }
0x1e: {  	s7 =	smul.u32 @!p0 $0xF7A, s2;
	p2 =	seq.s32 @!p0 s5, $0x0  }
0x1f: {  	s9 =	smul.u32 $0xF7A, s1;
	s8 =	simm.s32 @!p0 $0x1BF5;
	p2 =	por !p2, p0  }
0x20: {  	[sflag:s8] =	ssyncset.s32 @!p0 $0xFFFFF086;
	s6 =	sadd.s32 @!p0 s3, s7;
	s7 =	simm.s32 @!p0 $0x108  }
0x21: {  	s3 =	sadd.s32 s3, s9;
	s6 =	sadd.s32 @!p0 $0x88, s6;
	s7 =	simm.s32 @p2 $0x1082  }
0x22: {  	[simem:s7], [sflag:s8] =	dma.local @!p0 [hbm:s6], $0xF7A  }
0x23: {  	s9 =	sor.u32 $0xD0000000, s2;
	s6 =	simm.s32 $0x108;
	_ =	swait.ge @!p0 [sflag:s8], $0x0  }
0x24: {  	s3 =	sadd.s32 $0x88, s3;
	s6 =	simm.s32 @!p1 $0x1082;
	[sflag:s4] =	ssyncset.s32 $0xFFFFF086  }
0x25: {  	[simem:s6], [sflag:s4] =	dma.local [hbm:s3], $0xF7A  }
0x26: {  	[smem:$0x3F9F] =	sst s1;
	(tag) =	ssettag s2;
	_ =	strace s9  }
0x27: {  	s1 =	sld [smem:$0x3FAF]  }
0x28: {  	s2 =	sld [smem:$0x3FB0]  }
0x29: {  	s4 =	sld [smem:$0x3FB2]  }
0x2a: {  	p0 =	seq.s32 s5, $0x0;
	s5 =	sld [smem:$0x3FB3]  }
0x2b: {  	s6 =	sld [smem:$0x3FB4]  }
0x2c: {  	s7 =	sld [smem:$0x3FB5]  }
0x2d: {  	s3 =	simm.s32 $0x108;
	s8 =	sld [smem:$0x3FB6]  }
0x2e: {  	s3 =	simm.s32 @!p0 $0x1082;
	s9 =	sld [smem:$0x3FB7]  }
0x2f: {  	lr =	sadd.s32 s0, s3;
	s0 =	sld [smem:$0x3FAE]  }
0x30: {  	s3 =	sld [smem:$0x3FB1]  }
0x31: {  	[smem:$0x3FBA] =	sst s10  }
0x32: {  	s10 =	sld [smem:$0x3FB8];
	_ =	sdelay $0x3  }
0x33: {  	p0 =	seq.s32 s10, $0x1;
	s10 =	sld [smem:$0x3FBA];
	_ =	sdelay $0x3  }
0x34: {  	[smem:$0x3FBA] =	sst s10  }
0x35: {  	s10 =	sld [smem:$0x3FB9];
	_ =	sdelay $0x3  }
0x36: {  	p1 =	seq.s32 s10, $0x1;
	s10 =	sld [smem:$0x3FBA];
	_ =	sdelay $0x3  }
0x37: {  	[smem:$0x3FBA] =	sst s10  }
0x38: {  	s10 =	sld [smem:$0x3FBB]  }
0x39: {  	_ = 	snop;
	(pc) =	sbr.ind lr, $3  }
0x3a: {  	_ = 	snop  }
0x3b: {  	_ = 	snop  }
0x3c: {  	p2 =	seq.s32 s10, $0x1;
	s10 =	sld [smem:$0x3FBA]  }
0x3d: {  	_ =	shalt  }
0x3e: {  	_ =	shalt  }
0x3f: {  	_ =	shalt  }
0x40: {  	_ =	shalt  }
0x41: {  	_ =	shalt  }
0x42: {  	_ =	shalt  }
0x43: {  	_ =	shalt  }
0x44: {  	_ =	shalt  }
0x45: {  	_ =	shalt  }
0x46: {  	_ =	shalt  }
0x47: {  	_ =	shalt  }
0x48: {  	_ =	shalt  }
0x49: {  	_ =	shalt  }
0x4a: {  	_ =	shalt  }
0x4b: {  	_ =	shalt  }
0x4c: {  	_ =	shalt  }
0x4d: {  	_ =	shalt  }
0x4e: {  	_ =	shalt  }
0x4f: {  	_ =	shalt  }
0x50: {  	_ =	shalt  }
0x51: {  	_ =	shalt  }
0x52: {  	_ =	shalt  }
0x53: {  	_ =	shalt  }
0x54: {  	_ =	shalt  }
0x55: {  	_ =	shalt  }
0x56: {  	_ =	shalt  }
0x57: {  	_ =	shalt  }
0x58: {  	_ =	shalt  }
0x59: {  	_ =	shalt  }
0x5a: {  	_ =	shalt  }
0x5b: {  	_ =	shalt  }
0x5c: {  	_ =	shalt  }
0x5d: {  	_ =	shalt  }
0x5e: {  	_ =	shalt  }
0x5f: {  	_ =	shalt  }
0x60: {  	_ =	shalt  }
0x61: {  	_ =	shalt  }
0x62: {  	_ =	shalt  }
0x63: {  	_ =	shalt  }
0x64: {  	_ =	shalt  }
0x65: {  	_ =	shalt  }
0x66: {  	_ =	shalt  }
0x67: {  	_ =	shalt  }
0x68: {  	_ =	shalt  }
0x69: {  	_ =	shalt  }
0x6a: {  	_ =	shalt  }
0x6b: {  	_ =	shalt  }
0x6c: {  	_ =	shalt  }
0x6d: {  	_ =	shalt  }
0x6e: {  	_ =	shalt  }
0x6f: {  	_ =	shalt  }
0x70: {  	_ =	shalt  }
0x71: {  	_ =	shalt  }
0x72: {  	_ =	shalt  }
0x73: {  	_ =	shalt  }
0x74: {  	_ =	shalt  }
0x75: {  	_ =	shalt  }
0x76: {  	_ =	shalt  }
0x77: {  	_ =	shalt  }
0x78: {  	_ =	shalt  }
0x79: {  	_ =	shalt  }
0x7a: {  	_ =	shalt  }
0x7b: {  	_ =	shalt  }
0x7c: {  	_ =	shalt  }
0x7d: {  	_ =	shalt  }
0x7e: {  	_ =	shalt  }
0x7f: {  	_ =	shalt  }
0x80: {  	_ =	shalt  }
0x81: {  	_ =	shalt  }
0x82: {  	_ =	shalt  }
0x83: {  	_ =	shalt  }
0x84: {  	_ =	shalt  }
0x85: {  	_ =	shalt  }
0x86: {  	_ =	shalt  }
0x87: {  	_ =	shalt  }
.Lfunc_end0:
.L_simem_size_0:
called_computation_lowered:
.L_overlay_start_0:
0x88: {  	s2 =	sld [smem:$0x3FD9]  }
0x89: {  	s3 =	sld [smem:$0x3FFE];
	_ =	sdelay $0x1  }
0x8a: {  	s1 =	srdreg.scid  }
0x8b: {  	s0 =	sand.u32 $0x1, s1  }
0x8c: {  	s17 =	sshll.u32 s0, $0xA;
	s2 =	sadd.s32 s3, s2  }
0x8d: {  	s2 =	sadd.s32 s2, s17  }
0x8e: {  	[smem:$0x3FC6] =	sst s2  }
0x8f: {  	_ = 	snop  }
0x90: {  	s2 =	sld [smem:$0x3FC8]  }
0x91: {  	s18 =	sld [smem:$0x3FD0];
	(tm) =	ssettm $0x1  }
0x92: {  	s4 =	sld [smem:$0x3FFB];
	_ =	sdelay $0x3  }
0x93: {  	_ =	strace s4  }
0x94: {  	s4 =	sld [smem:$0x3FFC];
	_ =	sdelay $0x3  }
0x95: {  	_ =	strace s4  }
0x96: {  	s4 =	sld [smem:$0x3FFD];
	_ =	sdelay $0x3  }
0x97: {  	_ =	strace s4  }
0x98: {  	_ =	strace $0x8FFFFFFF  }
0x99: {  	s19 =	sld [smem:$0x3FDB];
	_ =	sdelay $0x1  }
0x9a: {  	s5 =	simm.s32 $_scs_section_size  }
0x9b: {  	s6 =	simm.s32 $_size__tile_overlayer_lowered;
	s7 =	simm.s32 $_tile_overlayer_lowered  }
0x9c: {  	s22 =	simm.s32 $0x1BFF;
	s21 =	sshll.u32 s7, $0x1;
	s4 =	sadd.s32 s5, s19  }
0x9d: {  	s8 =	simm.s32 $0x0;
	s20 =	sshll.u32 s6, $0x1;
	s6 =	sadd.s32 s21, s4  }
0x9e: {  	[timem:s8], [sflag:s22] =	dma.local [hbm:s6], s20  }
0x9f: {  	_ =	swait.ge [sflag:s22], s20  }
0xa0: {  	s5 =	ssub.s32 $0x0, s20;
	[sflag:s22] =	ssyncset.done $0x0  }
0xa1: {  	[sflag:s22] =	ssyncadd.s32 s5;
	_ =	sdelay $0x1  }
0xa2: {  	s23 =	simm.s32 $0x1B8B  }
0xa3: {  	_ =	swait.ge [sflag:s23], $0x1  }
0xa4: {  	[sflag:s23] =	ssyncset.done $0x0  }
0xa5: {  	s25 =	simm.s32 $0x1B8E;
	s24 =	sld [smem:$0x3FFE];
	[sflag:s23] =	ssyncadd.s32 $0xFFFFFFFF  }
0xa6: {  	s26 =	simm.s32 $execute0_lowered;
	[smem:$0x3FD2] =	sst s25  }
0xa7: {  	s6 =	sshll.u32 s26, $0x1;
	_ =	strace $0x80000046;
	[dreg:$0x1] =	wrdreg $0xFFFFFFFF  }
0xa8: {  	s28 =	simm.s32 $_size_execute0_lowered;
	s4 =	sadd.s32 s4, s6;
	[dreg:$0x0] =	wrdreg $0x0  }
0xa9: {  	s6 =	sshll.u32 s28, $0x1;
	[dreg:$0x2] =	wrdreg s4  }
0xaa: {  	[dreg:$0x3] =	wrdreg s6  }
0xab: {  	[dreg:$0x4] =	wrdreg $0xC0  }
0xac: {  	_ =	task [dreg:s8], $0x5FFFF  }
0xad: {  	[dreg:$0x1] =	wrdreg $0xFFFFFFFF  }
0xae: {  	[dreg:$0x0] =	wrdreg $0x60  }
0xaf: {  	[dreg:$0x2] =	wrdreg s24  }
0xb0: {  	[dreg:$0x3] =	wrdreg s2  }
0xb1: {  	[dreg:$0x4] =	wrdreg s18  }
0xb2: {  	[dreg:$0x5] =	wrdreg $0x9  }
0xb3: {  	_ =	task.clear_ibuf [dreg:s8], $0x6FFFF;
	_ =	strace $0x90000046  }
0xb4: {  	s29 =	simm.s32 $0x9;
	_ =	strace $0x80000048  }
0xb5: {  	_ =	swait.ge [sflag:s29], $0x1  }
0xb6: {  	[sflag:s29] =	ssyncadd.s32 $0xFFFFFFFF  }
0xb7: {  	_ =	strace $0x90000048  }
0xb8: {  	_ =	sfence  }
0xb9: {  	s30 =	sld [smem:$0x0];
	_ =	sdelay $0x2  }
0xba: {  	s31 =	sshll.u32 s1, $0xD;
	s1 =	sshrl.u32 s1, $0x2  }
0xbb: {  	s3 =	sand.u32 $0x4000, s31;
	s1 =	sadd.s32 s1, s30  }
0xbc: {  	s0 =	sor.u32 s3, s0;
	s1 =	sshll.u32 s1, $0x11  }
0xbd: {  	s0 =	sor.u32 s1, s0  }
0xbe: {  	s0 =	sadd.s32 $0x8F2B, s0  }
0xbf: {  	[sflag:s0] =	ssyncadd.remote.s32 $0x1  }
0xc0: {  	_ =	sfence.sel $0xFFFF  }
0xc1: {  	[dreg:$0x0] =	wrdreg $0xFFFFFFFF;
	(pc) =	sbr.abs _section_cstart, $3  }
0xc2: {  	[dreg:$0x1] =	wrdreg $0xFFFFFFFF  }
0xc3: {  	_ =	task.clear_ibuf [dreg:s8], $0x2FFFF;
	_ =	strace $0x9FFFFFFF  }
0xc4: {  	(tm) =	ssettm $0x7FFFFFFF  }
0xc5: {  	_ =	shalt  }
tec
execute0_lowered:
.L_overlay_start_1:
0x0: {  	(tag) =	ssettag $0x1  }
0x1: {  	s3 =	rddreg [dreg:$0x0]  }
0x2: {  	s0 =	rddreg [dreg:$0x1]  }
0x3: {  	s4 =	rddreg [dreg:$0x2]  }
0x4: {  	s1 =	srdreg.scid;
	s2 =	simm.s32 $0x0;
	[dreg:$0x5] =	wrdreg s0  }
0x5: {  	s0 =	stileid.u32;
	s5 =	sand.u32 $0x1, s1;
	s1 =	rddreg [dreg:$0x3]  }
0x6: {  	s8 =	simm.s32 $0x400;
	[smem:$0x7FF] =	sst s2;
	s6 =	sshll.u32 s0, $0x7  }
0x7: {  	s7 =	sshll.u32 s5, $0x6;
	_ =	strace $0x80000047;
	[dreg:$0x4] =	wrdreg s8  }
0x8: {  	s6 =	sor.u32 s7, s6;
	s9 =	rddreg [dreg:$0x5]  }
0x9: {  	s10 =	simm.s32 $0x200;
	s8 =	rddreg [dreg:$0x4];
	s3 =	sadd.s32 s6, s3  }
0xa: {  	[tilespmem:s8], [sflag:$0x1] =	stream.linear.gather [hbm4b:s9+s2], $0x80, $0x38;
	[tilespmem:$0x680] =	vst v63  }
0xb: {  	[dreg:$0x7] =	wrdreg s10;
	s31 =	sadd.s32 $0xE00, s3  }
0xc: {  	s3 =	sadd.s32 $0x600, s3;
	[dreg:$0x6] =	wrdreg s31  }
0xd: {  	[dreg:$0x8] =	wrdreg s3;
	s3 =	simm.s32 $0x1  }
0xe: {  	_ =	swait.ge [sflag:s3], $0x80  }
0xf: {  	[sflag:s3] =	ssyncset.done $0x0  }
0x10: {  	s11 =	rddreg [dreg:$0x6];
	[sflag:s3] =	ssyncadd.s32 $0xFFFFFF80  }
0x11: {  	[tilespmem:s2], [sflag:$0x1] =	stream.linear.gather [hbm4b:s11+s2], $0x200, $0x38;
	[tilespmem:$0x680] =	vst v63  }
0x12: {  	_ =	swait.ge [sflag:s3], $0x200  }
0x13: {  	s12 =	rddreg [dreg:$0x7];
	[sflag:s3] =	ssyncset.done $0x0  }
0x14: {  	s13 =	rddreg [dreg:$0x8];
	[sflag:s3] =	ssyncadd.s32 $0xFFFFFE00  }
0x15: {  	[tilespmem:s12], [sflag:$0x1] =	stream.linear.gather [hbm4b:s13+s2], $0x200, $0x38;
	[tilespmem:$0x680] =	vst v63  }
0x16: {  	_ =	swait.ge [sflag:s3], $0x200  }
0x17: {  	[sflag:s3] =	ssyncset.done $0x0  }
0x18: {  	[sflag:s3] =	ssyncadd.s32 $0xFFFFFE00  }
0x19: {  	v0 =	vld [tilespmem:$0x400]  }
0x1a: {  	v1 =	vld [tilespmem:$0x410];
	_ =	sdelay $0x1  }
0x1b: {  	v2 =	vld [tilespmem:$0x420];
	_ =	sdelay $0x1  }
0x1c: {  	v3 =	vld [tilespmem:$0x430]  }
0x1d: {  	v0 =	vmul.f32 v0, v0;
	v1 =	vmul.f32 v1, v1  }
0x1e: {  	v4 =	vld [tilespmem:$0x440]  }
0x1f: {  	v0 =	vadd.f32 v1, v0;
	v1 =	vmul.f32 v2, v2  }
0x20: {  	v2 =	vld [tilespmem:$0x450]  }
0x21: {  	v0 =	vadd.f32 v1, v0;
	v1 =	vmul.f32 v3, v3  }
0x22: {  	v3 =	vld [tilespmem:$0x460]  }
0x23: {  	v0 =	vadd.f32 v1, v0;
	v1 =	vmul.f32 v4, v4  }
0x24: {  	v63 =	vld [tilespmem:$0x470]  }
0x25: {  	v0 =	vadd.f32 v1, v0;
	v1 =	vmul.f32 v2, v2;
	_ =	sdelay $0x1  }
0x26: {  	v0 =	vadd.f32 v1, v0;
	v1 =	vmul.f32 v3, v3;
	_ =	sdelay $0x1  }
0x27: {  	v0 =	vadd.f32 v1, v0;
	v1 =	vmul.f32 v63, v63;
	_ =	sdelay $0x1  }
0x28: {  	v0 =	vadd.f32 v1, v0;
	_ =	sdelay $0x1  }
0x29: {  	(v2sf) =	vpush v0, $0x0  }
0x2a: {  	(v2sf) =	vpush v0, $0x1;
	_ =	sdelay $0x1  }
0x2b: {  	(v2sf) =	vpush v0, $0x2;
	_ =	sdelay $0x1  }
0x2c: {  	(v2sf) =	vpush v0, $0x3;
	_ =	sdelay $0x1  }
0x2d: {  	(v2sf) =	vpush v0, $0x4;
	_ =	sdelay $0x1  }
0x2e: {  	(v2sf) =	vpush v0, $0x5;
	_ =	sdelay $0x1  }
0x2f: {  	(v2sf) =	vpush v0, $0x6;
	_ =	sdelay $0x1  }
0x30: {  	(v2sf) =	vpush v0, $0x7;
	_ =	sdelay $0x1  }
0x31: {  	s14 =	spop (v2sf);
	(v2sf) =	vpush v0, $0x8  }
0x32: {  	s15 =	spop (v2sf)  }
0x33: {  	(v2sf) =	vpush v0, $0x9;
	s7 =	sadd.f32 s15, s14  }
0x34: {  	s16 =	spop (v2sf)  }
0x35: {  	(v2sf) =	vpush v0, $0xA;
	s7 =	sadd.f32 s7, s16  }
0x36: {  	s17 =	spop (v2sf)  }
0x37: {  	(v2sf) =	vpush v0, $0xB;
	s7 =	sadd.f32 s7, s17  }
0x38: {  	s18 =	spop (v2sf)  }
0x39: {  	(v2sf) =	vpush v0, $0xC;
	s7 =	sadd.f32 s7, s18  }
0x3a: {  	s19 =	spop (v2sf)  }
0x3b: {  	(v2sf) =	vpush v0, $0xD;
	s7 =	sadd.f32 s7, s19  }
0x3c: {  	s20 =	spop (v2sf)  }
0x3d: {  	(v2sf) =	vpush v0, $0xE;
	s7 =	sadd.f32 s7, s20  }
0x3e: {  	s21 =	spop (v2sf)  }
0x3f: {  	(v2sf) =	vpush v0, $0xF;
	s7 =	sadd.f32 s7, s21  }
0x40: {  	s22 =	spop (v2sf)  }
0x41: {  	s7 =	sadd.f32 s7, s22  }
0x42: {  	s23 =	spop (v2sf)  }
0x43: {  	s7 =	sadd.f32 s7, s23  }
0x44: {  	s24 =	spop (v2sf)  }
0x45: {  	s7 =	sadd.f32 s7, s24  }
0x46: {  	s25 =	spop (v2sf)  }
0x47: {  	s7 =	sadd.f32 s7, s25  }
0x48: {  	s26 =	spop (v2sf)  }
0x49: {  	s7 =	sadd.f32 s7, s26  }
0x4a: {  	s28 =	spop (v2sf)  }
0x4b: {  	s7 =	sadd.f32 s7, s28  }
0x4c: {  	s29 =	spop (v2sf)  }
0x4d: {  	s7 =	sadd.f32 s7, s29  }
0x4e: {  	s30 =	spop (v2sf)  }
0x4f: {  	s7 =	sadd.f32 s7, s30;
	_ =	sdelay $0x1  }
0x50: {  	v0 =	vmov s7  }
0x51: {  	v0 =	vsub.f32 $0.0e+00, v0;
	_ =	sdelay $0x1  }
0x52: {  	v0 =	vmul.f32 $1.442695020e+00, v0;
	_ =	sdelay $0x1  }
0x53: {  	v0 =	vbroadcast v0, $0x0;
	_ =	sdelay $0x1  }
0x54: {  	(erf) = vpow2.f32 v0;
	_ =	sdelay $0x8  }
0x55: {  	v0 =	vpop (erf)  }
0x56: {  	v0 =	vadd.f32 $1.000000000e+00, v0;
	_ =	sdelay $0x1  }
0x57: {  	s5 =	ssub.s32 $0x2, s5;
	(erf) = vrcp.f32 v0  }
0x58: {  	s31 =	sshrl.u32 s5, $0x1  }
0x59: {  	s5 =	ssub.s32 s5, s31  }
0x5a: {  	s7 =	smax.u32 s5, $0x1  }
0x5b: {  	p0 =	sne.s32 s7, $0x1  }
.Ltmp0:
0x5c: {  	_ = 	snop;
	(pc) =	sbr.rel @!p0 .LBB2_2-.Ltmp0, $2  }
0x5d: {  	_ =	sdelay $0x2  }
0x5e: {  	s4 =	sadd.s32 s4, s6;
	s5 =	simm.s32 $0x480;
	s6 =	sadd.s32 $0xFFFFFFFF, s7;
	v0 =	vpop (erf)  }
.LBB2_1:
0x5f: {  	[tilespmem:$0x670] =	vst v0  }
0x60: {  	[tilespmem:$0x660] =	vst v0  }
0x61: {  	[tilespmem:$0x650] =	vst v0  }
0x62: {  	[tilespmem:$0x640] =	vst v0  }
0x63: {  	[tilespmem:$0x630] =	vst v0  }
0x64: {  	[tilespmem:$0x620] =	vst v0  }
0x65: {  	[tilespmem:$0x610] =	vst v0  }
0x66: {  	[tilespmem:$0x600] =	vst v0  }
0x67: {  	[tilespmem:$0x5F0] =	vst v0  }
0x68: {  	[tilespmem:$0x5E0] =	vst v0  }
0x69: {  	[tilespmem:$0x5D0] =	vst v0  }
0x6a: {  	[tilespmem:$0x5C0] =	vst v0  }
0x6b: {  	[tilespmem:$0x5B0] =	vst v0  }
0x6c: {  	[tilespmem:$0x5A0] =	vst v0  }
0x6d: {  	[tilespmem:$0x590] =	vst v0  }
0x6e: {  	[tilespmem:$0x580] =	vst v0  }
0x6f: {  	[tilespmem:$0x570] =	vst v0  }
0x70: {  	[tilespmem:$0x560] =	vst v0  }
0x71: {  	[tilespmem:$0x550] =	vst v0  }
0x72: {  	[tilespmem:$0x540] =	vst v0  }
0x73: {  	[tilespmem:$0x530] =	vst v0  }
0x74: {  	[tilespmem:$0x520] =	vst v0  }
0x75: {  	[tilespmem:$0x510] =	vst v0  }
0x76: {  	[tilespmem:$0x500] =	vst v0  }
0x77: {  	[tilespmem:$0x4F0] =	vst v0  }
0x78: {  	[tilespmem:$0x4E0] =	vst v0  }
0x79: {  	[tilespmem:$0x4D0] =	vst v0  }
0x7a: {  	[tilespmem:$0x4C0] =	vst v0  }
0x7b: {  	[tilespmem:$0x4B0] =	vst v0  }
0x7c: {  	[tilespmem:$0x4A0] =	vst v0  }
0x7d: {  	[tilespmem:$0x490] =	vst v0  }
0x7e: {  	[tilespmem:$0x480] =	vst v0  }
0x7f: {  	[hbm4b:s4+s2] =	stream.linear.scatter [tilespmem:s5], [sflag:$0x1], $0x200, $0x38;
	[tilespmem:$0x680] =	vst v63  }
0x80: {  	_ =	swait.ge [sflag:s3], $0x200  }
0x81: {  	s7 =	rddreg [dreg:$0x5];
	[sflag:s3] =	ssyncset.done $0x0  }
0x82: {  	s8 =	rddreg [dreg:$0x4];
	[sflag:s3] =	ssyncadd.s32 $0xFFFFFE00  }
0x83: {  	[tilespmem:s8], [sflag:$0x1] =	stream.linear.gather [hbm4b:s7+s2], $0x80, $0x38;
	[tilespmem:$0x680] =	vst v63  }
0x84: {  	_ =	swait.ge [sflag:s3], $0x80  }
0x85: {  	[sflag:s3] =	ssyncset.done $0x0  }
0x86: {  	s12 =	rddreg [dreg:$0x6];
	[sflag:s3] =	ssyncadd.s32 $0xFFFFFF80  }
0x87: {  	[tilespmem:s2], [sflag:$0x1] =	stream.linear.gather [hbm4b:s12+s2], $0x200, $0x38;
	[tilespmem:$0x680] =	vst v63  }
0x88: {  	_ =	swait.ge [sflag:s3], $0x200  }
0x89: {  	s13 =	rddreg [dreg:$0x7];
	[sflag:s3] =	ssyncset.done $0x0  }
0x8a: {  	s14 =	rddreg [dreg:$0x8];
	[sflag:s3] =	ssyncadd.s32 $0xFFFFFE00  }
0x8b: {  	[tilespmem:s13], [sflag:$0x1] =	stream.linear.gather [hbm4b:s14+s2], $0x200, $0x38;
	[tilespmem:$0x680] =	vst v63  }
0x8c: {  	_ =	swait.ge [sflag:s3], $0x200  }
0x8d: {  	[sflag:s3] =	ssyncset.done $0x0  }
0x8e: {  	[sflag:s3] =	ssyncadd.s32 $0xFFFFFE00  }
0x8f: {  	v0 =	vld [tilespmem:$0x400]  }
0x90: {  	v1 =	vld [tilespmem:$0x410];
	_ =	sdelay $0x1  }
0x91: {  	v2 =	vld [tilespmem:$0x420];
	_ =	sdelay $0x1  }
0x92: {  	v4 =	vld [tilespmem:$0x430]  }
0x93: {  	v0 =	vmul.f32 v0, v0;
	v1 =	vmul.f32 v1, v1  }
0x94: {  	v7 =	vld [tilespmem:$0x440]  }
0x95: {  	v0 =	vadd.f32 v1, v0;
	v1 =	vmul.f32 v2, v2  }
0x96: {  	v6 =	vld [tilespmem:$0x450]  }
0x97: {  	v0 =	vadd.f32 v1, v0;
	v1 =	vmul.f32 v4, v4  }
0x98: {  	v5 =	vld [tilespmem:$0x460]  }
0x99: {  	v0 =	vadd.f32 v1, v0;
	v1 =	vmul.f32 v7, v7  }
0x9a: {  	v3 =	vld [tilespmem:$0x470]  }
0x9b: {  	v0 =	vadd.f32 v1, v0;
	v1 =	vmul.f32 v6, v6;
	_ =	sdelay $0x1  }
0x9c: {  	v0 =	vadd.f32 v1, v0;
	v1 =	vmul.f32 v5, v5;
	_ =	sdelay $0x1  }
0x9d: {  	v0 =	vadd.f32 v1, v0;
	v1 =	vmul.f32 v3, v3;
	_ =	sdelay $0x1  }
0x9e: {  	v0 =	vadd.f32 v1, v0;
	_ =	sdelay $0x1  }
0x9f: {  	(v2sf) =	vpush v0, $0x0  }
0xa0: {  	(v2sf) =	vpush v0, $0x1;
	_ =	sdelay $0x1  }
0xa1: {  	(v2sf) =	vpush v0, $0x2;
	_ =	sdelay $0x1  }
0xa2: {  	(v2sf) =	vpush v0, $0x3;
	_ =	sdelay $0x1  }
0xa3: {  	(v2sf) =	vpush v0, $0x4;
	_ =	sdelay $0x1  }
0xa4: {  	(v2sf) =	vpush v0, $0x5;
	_ =	sdelay $0x1  }
0xa5: {  	(v2sf) =	vpush v0, $0x6;
	_ =	sdelay $0x1  }
0xa6: {  	(v2sf) =	vpush v0, $0x7;
	_ =	sdelay $0x1  }
0xa7: {  	s15 =	spop (v2sf);
	(v2sf) =	vpush v0, $0x8  }
0xa8: {  	s16 =	spop (v2sf)  }
0xa9: {  	(v2sf) =	vpush v0, $0x9;
	s7 =	sadd.f32 s16, s15  }
0xaa: {  	s17 =	spop (v2sf)  }
0xab: {  	(v2sf) =	vpush v0, $0xA;
	s7 =	sadd.f32 s7, s17  }
0xac: {  	s18 =	spop (v2sf)  }
0xad: {  	(v2sf) =	vpush v0, $0xB;
	s7 =	sadd.f32 s7, s18  }
0xae: {  	s19 =	spop (v2sf)  }
0xaf: {  	(v2sf) =	vpush v0, $0xC;
	s7 =	sadd.f32 s7, s19  }
0xb0: {  	s20 =	spop (v2sf)  }
0xb1: {  	(v2sf) =	vpush v0, $0xD;
	s7 =	sadd.f32 s7, s20  }
0xb2: {  	s21 =	spop (v2sf)  }
0xb3: {  	(v2sf) =	vpush v0, $0xE;
	s7 =	sadd.f32 s7, s21  }
0xb4: {  	s22 =	spop (v2sf)  }
0xb5: {  	(v2sf) =	vpush v0, $0xF;
	s7 =	sadd.f32 s7, s22  }
0xb6: {  	s23 =	spop (v2sf)  }
0xb7: {  	s7 =	sadd.f32 s7, s23  }
0xb8: {  	s24 =	spop (v2sf)  }
0xb9: {  	s7 =	sadd.f32 s7, s24  }
0xba: {  	s25 =	spop (v2sf)  }
0xbb: {  	s7 =	sadd.f32 s7, s25  }
0xbc: {  	s26 =	spop (v2sf)  }
0xbd: {  	s7 =	sadd.f32 s7, s26  }
0xbe: {  	s28 =	spop (v2sf)  }
0xbf: {  	s7 =	sadd.f32 s7, s28  }
0xc0: {  	s29 =	spop (v2sf)  }
0xc1: {  	s7 =	sadd.f32 s7, s29  }
0xc2: {  	s30 =	spop (v2sf)  }
0xc3: {  	s7 =	sadd.f32 s7, s30  }
0xc4: {  	s31 =	spop (v2sf)  }
0xc5: {  	s7 =	sadd.f32 s7, s31;
	_ =	sdelay $0x1  }
0xc6: {  	v0 =	vmov s7  }
0xc7: {  	v0 =	vsub.f32 $0.0e+00, v0;
	_ =	sdelay $0x1  }
0xc8: {  	v0 =	vmul.f32 $1.442695020e+00, v0;
	_ =	sdelay $0x1  }
0xc9: {  	v0 =	vbroadcast v0, $0x0;
	_ =	sdelay $0x1  }
0xca: {  	(erf) = vpow2.f32 v0;
	_ =	sdelay $0x8  }
0xcb: {  	v0 =	vpop (erf)  }
0xcc: {  	v0 =	vadd.f32 $1.000000000e+00, v0;
	_ =	sdelay $0x1  }
0xcd: {  	(erf) = vrcp.f32 v0;
	_ =	sdelay $0x3  }
0xce: {  	p0 =	sne.s32 s6, $0x1  }
.Ltmp1:
0xcf: {  	_ = 	snop;
	(pc) =	sbr.rel @p0 .LBB2_1-.Ltmp1, $2  }
0xd0: {  	_ =	sdelay $0x2  }
0xd1: {  	s6 =	sadd.s32 $0xFFFFFFFF, s6;
	v0 =	vpop (erf)  }
.LBB2_2:
0xd2: {  	[tilespmem:$0x670] =	vst v0  }
0xd3: {  	[tilespmem:$0x660] =	vst v0  }
0xd4: {  	[tilespmem:$0x650] =	vst v0  }
0xd5: {  	[tilespmem:$0x640] =	vst v0  }
0xd6: {  	[tilespmem:$0x630] =	vst v0  }
0xd7: {  	[tilespmem:$0x620] =	vst v0  }
0xd8: {  	[tilespmem:$0x610] =	vst v0  }
0xd9: {  	[tilespmem:$0x600] =	vst v0  }
0xda: {  	[tilespmem:$0x5F0] =	vst v0  }
0xdb: {  	[tilespmem:$0x5E0] =	vst v0  }
0xdc: {  	[tilespmem:$0x5D0] =	vst v0  }
0xdd: {  	[tilespmem:$0x5C0] =	vst v0  }
0xde: {  	[tilespmem:$0x5B0] =	vst v0  }
0xdf: {  	[tilespmem:$0x5A0] =	vst v0  }
0xe0: {  	[tilespmem:$0x590] =	vst v0  }
0xe1: {  	[tilespmem:$0x580] =	vst v0  }
0xe2: {  	[tilespmem:$0x570] =	vst v0  }
0xe3: {  	[tilespmem:$0x560] =	vst v0  }
0xe4: {  	[tilespmem:$0x550] =	vst v0  }
0xe5: {  	[tilespmem:$0x540] =	vst v0  }
0xe6: {  	[tilespmem:$0x530] =	vst v0  }
0xe7: {  	[tilespmem:$0x520] =	vst v0  }
0xe8: {  	[tilespmem:$0x510] =	vst v0  }
0xe9: {  	[tilespmem:$0x500] =	vst v0  }
0xea: {  	[tilespmem:$0x4F0] =	vst v0  }
0xeb: {  	[tilespmem:$0x4E0] =	vst v0  }
0xec: {  	[tilespmem:$0x4D0] =	vst v0  }
0xed: {  	[tilespmem:$0x4C0] =	vst v0  }
0xee: {  	[tilespmem:$0x4B0] =	vst v0  }
0xef: {  	[tilespmem:$0x4A0] =	vst v0  }
0xf0: {  	[tilespmem:$0x490] =	vst v0  }
0xf1: {  	[tilespmem:$0x480] =	vst v0  }
0xf2: {  	[hbm4b:s4+s2] =	stream.linear.scatter [tilespmem:s5], [sflag:$0x1], $0x200, $0x38;
	[tilespmem:$0x680] =	vst v63  }
0xf3: {  	_ =	swait.ge [sflag:s3], $0x200  }
0xf4: {  	[sflag:s3] =	ssyncset.done $0x0  }
0xf5: {  	[sflag:s3] =	ssyncadd.s32 $0xFFFFFE00  }
0xf6: {  	_ =	sfence.sel $0x180000  }
0xf7: {  	[bflag:$0x0] =	sbarrier.arrive $0xFFFF  }
0xf8: {  	p0 =	sne.s32 s0, $0x0;
	_ =	strace $0x90000047  }
0xf9: {  	s0 =	sadd.s32 @!p0 $0x100000, s1;
	[bflag:$0x2] =	sbarrier.arrive $0xFFFF  }
0xfa: {  	[sflag:s0] =	ssyncadd.tile.s32 @!p0 $0x1;
	_ =	shalt  }
.Lfunc_end2:
_tile_overlayer_lowered:
.L_overlay_start_2:
0xfb: {  	(tag) =	ssettag $0x2  }
0xfc: {  	s0 =	rddreg [dreg:$0x0];
	s2 =	stileid.u32  }
0xfd: {  	s1 =	rddreg [dreg:$0x1];
	p0 =	sne.s32 s2, $0x0  }
0xfe: {  	s3 =	rddreg [dreg:$0x2];
	[bflag:$0x3] =	sbarrier.arrive $0xFFFF;
	s2 =	simm.s32 @!p0 $0x1C01  }
0xff: {  	[timem:s3], [sflag:s2] =	dma.local @!p0 [hbm:s0], s1  }
0x100: {  	s0 =	simm.s32 @!p0 $0x1  }
0x101: {  	_ =	swait.ge @!p0 [sflag:s0], s1  }
0x102: {  	s1 =	ssub.s32 @!p0 $0x0, s1;
	[sflag:s0] =	ssyncset.done @!p0 $0x0  }
0x103: {  	[sflag:s0] =	ssyncadd.s32 @!p0 s1  }
0x104: {  	[bflag:$0x3] =	sbarrier.arrive $0xFFFF  }
0x105: {  	_ =	shalt  }

</sc_bundles>
